<compile_context>
chip_gen: v7x
topology: tpu7x:2x2x1
jax: 0.10.2.dev20260603
libtpu: 0.0.44.dev20260713+nightly
codegen_flags: <defaults>
</compile_context>

<pallas_src>
import functools

import jax
import jax.numpy as jnp
from jax import lax
from jax.experimental import pallas as pl
from jax.experimental.pallas import tpu as pltpu
from jax.experimental.pallas import tpu_sc as plsc

N = 10000
D = 256
HALF = 128
NSUB = 16
CHUNK = 128
NPHASE = 2
ACC_ROWS = 10240
ZERO_ROWS = ACC_ROWS // NSUB


def _sc_scatter_add(x_flat, src2d, dst2d, zeros_blk, e_pad):
    nchunks = e_pad // (NSUB * CHUNK)
    cpp = nchunks // NPHASE
    npairs = cpp // 2

    mesh = plsc.VectorSubcoreMesh(core_axis_name="c", subcore_axis_name="s")

    @functools.partial(
        pl.kernel,
        out_type=jax.ShapeDtypeStruct((2 * ACC_ROWS, HALF), jnp.float32),
        mesh=mesh,
        scratch_types=[
            pltpu.VMEM_SHARED((ACC_ROWS, HALF), jnp.float32),
            pltpu.VMEM((cpp, CHUNK), jnp.int32),
            pltpu.VMEM((cpp, CHUNK), jnp.int32),
            pltpu.VMEM((CHUNK, HALF), jnp.float32),
            pltpu.VMEM((CHUNK, HALF), jnp.float32),
            pltpu.SemaphoreType.DMA,
            pltpu.SemaphoreType.DMA,
            pltpu.SemaphoreType.DMA,
        ],
    )
    def sc_kernel(x_hbm, src_hbm, dst_hbm, zero_hbm, out_hbm,
                  acc, sidx, didx, buf0, buf1, sem0, sem1, semz):
        c = lax.axis_index("c")
        s = lax.axis_index("s")
        pltpu.async_copy(zero_hbm, acc.at[pl.ds(s * ZERO_ROWS, ZERO_ROWS)],
                         semz)

        @pl.loop(0, NPHASE)
        def _(ph):
            srow = (c * NSUB + s) * nchunks + ph * cpp
            drow = s * nchunks + ph * cpp
            pltpu.sync_copy(src_hbm.at[pl.ds(srow, cpp)], sidx)
            pltpu.sync_copy(dst_hbm.at[pl.ds(drow, cpp)], didx)

            pltpu.async_copy(x_hbm.at[sidx.at[0]], buf0, sem0)

            @pl.when(ph == 0)
            def _():
                pltpu.make_async_copy(
                    zero_hbm, acc.at[pl.ds(s * ZERO_ROWS, ZERO_ROWS)],
                    semz).wait()
                plsc.subcore_barrier()

            @pl.loop(0, npairs)
            def _(p):
                i0 = 2 * p
                pltpu.async_copy(x_hbm.at[sidx.at[i0 + 1]], buf1, sem1)
                pltpu.make_async_copy(x_hbm.at[sidx.at[i0]], buf0, sem0).wait()
                pltpu.sync_copy(buf0, acc.at[didx.at[i0]], add=True)

                @pl.when(i0 + 2 < cpp)
                def _():
                    pltpu.async_copy(x_hbm.at[sidx.at[i0 + 2]], buf0, sem0)

                pltpu.make_async_copy(x_hbm.at[sidx.at[i0 + 1]], buf1,
                                      sem1).wait()
                pltpu.sync_copy(buf1, acc.at[didx.at[i0 + 1]], add=True)

        plsc.subcore_barrier()
        out0 = c * ACC_ROWS + s * ZERO_ROWS
        pltpu.sync_copy(acc.at[pl.ds(s * ZERO_ROWS, ZERO_ROWS)],
                        out_hbm.at[pl.ds(out0, ZERO_ROWS)])

    return sc_kernel(x_flat, src2d, dst2d, zeros_blk)


def _mlp_block(h, a, W1, b1, W2, b2):
    u = h[...].reshape(-1, D) + jnp.concatenate([a[0], a[1]], axis=1)
    t = jnp.dot(u, W1[...], preferred_element_type=jnp.float32,
                precision=lax.Precision.DEFAULT) + b1[...]
    t = jnp.maximum(t, 0.0)
    v = jnp.dot(t, W2[...], preferred_element_type=jnp.float32,
                precision=lax.Precision.DEFAULT) + b2[...]
    return jnp.maximum(v, 0.0)


def _tc_layer_body(h, a, W1, b1, W2, b2, o, pool):
    v = _mlp_block(h, a, W1, b1, W2, b2)
    o[...] = v.reshape(-1, HALF)

    @pl.when(pl.program_id(0) == 0)
    def _():
        pool[...] = jnp.zeros_like(pool)

    pool[...] += jnp.sum(v, axis=0, keepdims=True)


_TC_ROWS = 1000


def _layer_in_specs():
    return [
        pl.BlockSpec((2 * _TC_ROWS, HALF), lambda i: (i, 0)),
        pl.BlockSpec((2, _TC_ROWS, HALF), lambda i: (0, i, 0)),
        pl.BlockSpec((D, D), lambda i: (0, 0)),
        pl.BlockSpec((1, D), lambda i: (0, 0)),
        pl.BlockSpec((D, D), lambda i: (0, 0)),
        pl.BlockSpec((1, D), lambda i: (0, 0)),
    ]


def _tc_layer(h_s, agg_s, W1, b1, W2, b2):
    return pl.pallas_call(
        _tc_layer_body,
        grid=(N // _TC_ROWS,),
        in_specs=_layer_in_specs(),
        out_specs=[
            pl.BlockSpec((2 * _TC_ROWS, HALF), lambda i: (i, 0)),
            pl.BlockSpec((1, D), lambda i: (0, 0)),
        ],
        out_shape=[
            jax.ShapeDtypeStruct((2 * N, HALF), jnp.float32),
            jax.ShapeDtypeStruct((1, D), jnp.float32),
        ],
    )(h_s, agg_s, W1, b1.reshape(1, D), W2, b2.reshape(1, D))


def _tc_layer3_body(h, a, W1, b1, W2, b2, p1, p2, lw1, lb1, lw2, lb2,
                    pool, o):
    v = _mlp_block(h, a, W1, b1, W2, b2)

    @pl.when(pl.program_id(0) == 0)
    def _():
        pool[...] = jnp.zeros_like(pool)

    pool[...] += jnp.sum(v, axis=0, keepdims=True)

    @pl.when(pl.program_id(0) == N // _TC_ROWS - 1)
    def _():
        p = jnp.concatenate([p1[...], p2[...], pool[...]], axis=1)
        hh = jnp.dot(p, lw1[...], preferred_element_type=jnp.float32,
                     precision=lax.Precision.DEFAULT) + lb1[...]
        hh = jnp.maximum(hh, 0.0)
        o[...] = jnp.dot(hh, lw2[...], preferred_element_type=jnp.float32,
                         precision=lax.Precision.DEFAULT) + lb2[...]


def _tc_layer3(h_s, agg_s, W1, b1, W2, b2, p1, p2,
               lin1_W, lin1_b, lin2_Wp, lin2_bp):
    return pl.pallas_call(
        _tc_layer3_body,
        grid=(N // _TC_ROWS,),
        in_specs=_layer_in_specs() + [
            pl.BlockSpec((1, D), lambda i: (0, 0)),
            pl.BlockSpec((1, D), lambda i: (0, 0)),
            pl.BlockSpec((3 * D, 3 * D), lambda i: (0, 0)),
            pl.BlockSpec((1, 3 * D), lambda i: (0, 0)),
            pl.BlockSpec((3 * D, HALF), lambda i: (0, 0)),
            pl.BlockSpec((1, HALF), lambda i: (0, 0)),
        ],
        out_specs=[
            pl.BlockSpec((1, D), lambda i: (0, 0)),
            pl.BlockSpec((1, HALF), lambda i: (0, 0)),
        ],
        out_shape=[
            jax.ShapeDtypeStruct((1, D), jnp.float32),
            jax.ShapeDtypeStruct((1, HALF), jnp.float32),
        ],
    )(h_s, agg_s, W1, b1.reshape(1, D), W2, b2.reshape(1, D), p1, p2,
      lin1_W, lin1_b.reshape(1, 3 * D), lin2_Wp, lin2_bp)


def kernel(x, edge_index, conv1_W1, conv1_b1, conv1_W2, conv1_b2,
           conv2_W1, conv2_b1, conv2_W2, conv2_b2,
           conv3_W1, conv3_b1, conv3_W2, conv3_b2,
           lin1_W, lin1_b, lin2_W, lin2_b):
    src = edge_index[0]
    dst = edge_index[1]
    E = src.shape[0]
    epc = 2 * NPHASE * NSUB * CHUNK
    e_pad = ((E + epc - 1) // epc) * epc
    pad = e_pad - E
    src_p = jnp.concatenate([src, jnp.zeros((pad,), jnp.int32)])
    dst_p = jnp.concatenate([dst, jnp.full((pad,), N, jnp.int32)])
    src_e = 2 * src_p
    src2d = jnp.concatenate([src_e, src_e + 1]).reshape(-1, CHUNK)
    dst2d = dst_p.reshape(-1, CHUNK)
    zeros_blk = jnp.zeros((ZERO_ROWS, HALF), jnp.float32)

    h = x.reshape(2 * N, HALF)

    pools = []
    for (W1, b1, W2, b2) in (
        (conv1_W1, conv1_b1, conv1_W2, conv1_b2),
        (conv2_W1, conv2_b1, conv2_W2, conv2_b2),
    ):
        agg = _sc_scatter_add(h, src2d, dst2d, zeros_blk, e_pad)
        h, p = _tc_layer(h, agg.reshape(2, ACC_ROWS, HALF), W1, b1, W2, b2)
        pools.append(p)

    C = lin2_W.shape[1]
    lin2_Wp = jnp.zeros((lin2_W.shape[0], HALF), jnp.float32).at[:, :C].set(lin2_W)
    lin2_bp = jnp.zeros((1, HALF), jnp.float32).at[:, :C].set(lin2_b)
    agg = _sc_scatter_add(h, src2d, dst2d, zeros_blk, e_pad)
    _, out = _tc_layer3(h, agg.reshape(2, ACC_ROWS, HALF),
                        conv3_W1, conv3_b1, conv3_W2, conv3_b2,
                        pools[0], pools[1], lin1_W, lin1_b, lin2_Wp, lin2_bp)
    return out[:, :C]

# --- scband reference (transcript-rebuilt; emitter-appended) ---
"""Pipeline reference for scband-gin-352187318671 (READ-ONLY COPY).

The authoritative reference and input builder live on the scoring server;
editing this copy changes nothing except your own understanding.
"""

import jax, jax.numpy as jnp
import numpy as np

N = 10000
E = 160000
D = 256
H = 256
C = 10

def setup_inputs(seed: int = 0):
    key = jax.random.key(seed)
    ks = jax.random.split(key, 12)
    s = 0.05
    inp = {}
    inp['x'] = jax.random.normal(ks[0], (N, D), dtype=jnp.float32)
    inp['edge_index'] = jax.random.randint(ks[1], (2, E), 0, N, dtype=jnp.int32)
    inp['conv1_W1'] = jax.random.normal(ks[2], (D, H), dtype=jnp.float32) * s
    inp['conv1_b1'] = jnp.zeros((H,), dtype=jnp.float32)
    inp['conv1_W2'] = jax.random.normal(ks[3], (H, H), dtype=jnp.float32) * s
    inp['conv1_b2'] = jnp.zeros((H,), dtype=jnp.float32)
    inp['conv2_W1'] = jax.random.normal(ks[4], (H, H), dtype=jnp.float32) * s
    inp['conv2_b1'] = jnp.zeros((H,), dtype=jnp.float32)
    inp['conv2_W2'] = jax.random.normal(ks[5], (H, H), dtype=jnp.float32) * s
    inp['conv2_b2'] = jnp.zeros((H,), dtype=jnp.float32)
    inp['conv3_W1'] = jax.random.normal(ks[6], (H, H), dtype=jnp.float32) * s
    inp['conv3_b1'] = jnp.zeros((H,), dtype=jnp.float32)
    inp['conv3_W2'] = jax.random.normal(ks[7], (H, H), dtype=jnp.float32) * s
    inp['conv3_b2'] = jnp.zeros((H,), dtype=jnp.float32)
    inp['lin1_W'] = jax.random.normal(ks[8], (3 * H, 3 * H), dtype=jnp.float32) * s
    inp['lin1_b'] = jnp.zeros((3 * H,), dtype=jnp.float32)
    inp['lin2_W'] = jax.random.normal(ks[9], (3 * H, C), dtype=jnp.float32) * s
    inp['lin2_b'] = jnp.zeros((C,), dtype=jnp.float32)
    return inp

def gin_conv(x, ei, W1, b1, W2, b2, eps=0.0):
    # GINConv: MLP((1+eps)*x + sum_{j in N(i)} x_j); messages flow src -> dst
    src = ei[0]
    dst = ei[1]
    agg = jnp.zeros_like(x).at[dst].add(x[src])
    h = (1.0 + eps) * x + agg
    h = jax.nn.relu(h @ W1 + b1)
    h = jax.nn.relu(h @ W2 + b2)
    return h

def reference(x, edge_index, conv1_W1, conv1_b1, conv1_W2, conv1_b2, conv2_W1, conv2_b1, conv2_W2, conv2_b2, conv3_W1, conv3_b1, conv3_W2, conv3_b2, lin1_W, lin1_b, lin2_W, lin2_b):
    h1 = gin_conv(x, edge_index, conv1_W1, conv1_b1, conv1_W2, conv1_b2)
    h2 = gin_conv(h1, edge_index, conv2_W1, conv2_b1, conv2_W2, conv2_b2)
    h3 = gin_conv(h2, edge_index, conv3_W1, conv3_b1, conv3_W2, conv3_b2)
    # global_add_pool over all nodes (single graph) -> [1, H]
    p1 = jnp.sum(h1, axis=0, keepdims=True)
    p2 = jnp.sum(h2, axis=0, keepdims=True)
    p3 = jnp.sum(h3, axis=0, keepdims=True)
    h = jnp.concatenate([p1, p2, p3], axis=1)
    h = jax.nn.relu(h @ lin1_W + lin1_b)
    # dropout p=0.5 is identity in eval mode
    h = h @ lin2_W + lin2_b
    return h

if __name__ == "__main__":
    import jax
    _d = setup_inputs()
    print(jax.jit(kernel)(*tuple(_d.values())))

</pallas_src>

<mosaic_0001>
#map = affine_map<(d0, d1) -> (0, 0)>
module attributes {stable_mosaic.version = 14 : i64} {
  func.func @sc_kernel(%arg0: i32, %arg1: i32, %arg2: memref<20000x128xf32, #tpu.memory_space<hbm>>, %arg3: memref<2560x128xi32, #tpu.memory_space<hbm>>, %arg4: memref<1280x128xi32, #tpu.memory_space<hbm>>, %arg5: memref<640x128xf32, #tpu.memory_space<hbm>>, %arg6: memref<20480x128xf32, #tpu.memory_space<hbm>>, %arg7: memref<10240x128xf32, #tpu.memory_space<vmem_shared>>, %arg8: memref<40x128xi32, #tpu.memory_space<vmem>>, %arg9: memref<40x128xi32, #tpu.memory_space<vmem>>, %arg10: memref<128x128xf32, #tpu.memory_space<vmem>>, %arg11: memref<128x128xf32, #tpu.memory_space<vmem>>, %arg12: memref<!tpu.dma_semaphore, #tpu.memory_space<semaphore_mem>>, %arg13: memref<!tpu.dma_semaphore, #tpu.memory_space<semaphore_mem>>, %arg14: memref<!tpu.dma_semaphore, #tpu.memory_space<semaphore_mem>>) attributes {dimension_semantics = [#tpu.dimension_semantics<core_parallel>, #tpu.dimension_semantics<subcore_parallel>], iteration_bounds = array<i64: 2, 16>, scalar_prefetch = 0 : i64, scratch_operands = 8 : i64, tpu.core_type = #tpu.core_type<sc_vector_subcore>, window_params = [{transform_indices = #map}, {transform_indices = #map}, {transform_indices = #map}, {transform_indices = #map}, {transform_indices = #map}]} {
    %mul3A = arith.constant 640 : i32
    %mul3A_0 = arith.muli %arg1, %mul3A : i32
    %dma_start3A = arith.constant 0 : i32
    %dma_start3A_1 = tpu.memref_slice %arg7[%mul3A_0, %dma_start3A] : memref<10240x128xf32, #tpu.memory_space<vmem_shared>> -> memref<640x128xf32, #tpu.memory_space<vmem_shared>>
    tpu.enqueue_dma source(%arg5 : memref<640x128xf32, #tpu.memory_space<hbm>>) target(%dma_start3A_1 : memref<640x128xf32, #tpu.memory_space<vmem_shared>>) target_semaphore(%arg14 : memref<!tpu.dma_semaphore, #tpu.memory_space<semaphore_mem>>)
    %scan3A = arith.constant 0 : i32
    %scan3A_2 = arith.constant 2 : i32
    %scan3A_3 = arith.addi %scan3A, %scan3A_2 : i32
    %scan3A_4 = arith.constant 1 : i32
    scf.for %scan3A_12 = %scan3A to %scan3A_3 step %scan3A_4  : i32 {
      %mul3A_13 = arith.constant 1 : i32
      %mul3A_14 = arith.muli %scan3A_12, %mul3A_13 : i32
      %add3A_15 = arith.constant 0 : i32
      %add3A_16 = arith.addi %add3A_15, %mul3A_14 : i32
      %mul3A_17 = arith.constant 16 : i32
      %mul3A_18 = arith.muli %arg0, %mul3A_17 : i32
      %add3A_19 = arith.addi %mul3A_18, %arg1 : i32
      %mul3A_20 = arith.constant 80 : i32
      %mul3A_21 = arith.muli %add3A_19, %mul3A_20 : i32
      %mul3A_22 = arith.constant 40 : i32
      %mul3A_23 = arith.muli %add3A_16, %mul3A_22 : i32
      %add3A_24 = arith.addi %mul3A_21, %mul3A_23 : i32
      %mul3A_25 = arith.constant 80 : i32
      %mul3A_26 = arith.muli %arg1, %mul3A_25 : i32
      %mul3A_27 = arith.constant 40 : i32
      %mul3A_28 = arith.muli %add3A_16, %mul3A_27 : i32
      %add3A_29 = arith.addi %mul3A_26, %mul3A_28 : i32
      "tpu.region"() ({
        %run_scoped3A = tpu.sem_alloc : memref<!tpu.dma_semaphore, #tpu.memory_space<semaphore_mem>>
        %dma_start3A_44 = arith.constant 0 : i32
        %dma_start3A_45 = tpu.memref_slice %arg3[%add3A_24, %dma_start3A_44] : memref<2560x128xi32, #tpu.memory_space<hbm>> -> memref<40x128xi32, #tpu.memory_space<hbm>>
        %dma_start3A_46 = arith.constant 0 : i32
        %dma_start3A_47 = tpu.memref_slice %arg3[%add3A_24, %dma_start3A_46] : memref<2560x128xi32, #tpu.memory_space<hbm>> -> memref<40x128xi32, #tpu.memory_space<hbm>>
        tpu.enqueue_dma source(%dma_start3A_47 : memref<40x128xi32, #tpu.memory_space<hbm>>) target(%arg8 : memref<40x128xi32, #tpu.memory_space<vmem>>) target_semaphore(%run_scoped3A : memref<!tpu.dma_semaphore, #tpu.memory_space<semaphore_mem>>)
        %dma_wait3A = arith.constant 0 : i32
        %dma_wait3A_48 = tpu.memref_slice %arg3[%add3A_24, %dma_wait3A] : memref<2560x128xi32, #tpu.memory_space<hbm>> -> memref<40x128xi32, #tpu.memory_space<hbm>>
        %dma_wait3A_49 = arith.constant 0 : i32
        %dma_wait3A_50 = tpu.memref_slice %arg3[%add3A_24, %dma_wait3A_49] : memref<2560x128xi32, #tpu.memory_space<hbm>> -> memref<40x128xi32, #tpu.memory_space<hbm>>
        tpu.wait_dma2 semaphore(%run_scoped3A : memref<!tpu.dma_semaphore, #tpu.memory_space<semaphore_mem>>) src(%dma_wait3A_50 : memref<40x128xi32, #tpu.memory_space<hbm>>) dst(%arg8 : memref<40x128xi32, #tpu.memory_space<vmem>>)
        tpu.yield
      }) : () -> ()
      "tpu.region"() ({
        %run_scoped3A = tpu.sem_alloc : memref<!tpu.dma_semaphore, #tpu.memory_space<semaphore_mem>>
        %dma_start3A_44 = arith.constant 0 : i32
        %dma_start3A_45 = tpu.memref_slice %arg4[%add3A_29, %dma_start3A_44] : memref<1280x128xi32, #tpu.memory_space<hbm>> -> memref<40x128xi32, #tpu.memory_space<hbm>>
        %dma_start3A_46 = arith.constant 0 : i32
        %dma_start3A_47 = tpu.memref_slice %arg4[%add3A_29, %dma_start3A_46] : memref<1280x128xi32, #tpu.memory_space<hbm>> -> memref<40x128xi32, #tpu.memory_space<hbm>>
        tpu.enqueue_dma source(%dma_start3A_47 : memref<40x128xi32, #tpu.memory_space<hbm>>) target(%arg9 : memref<40x128xi32, #tpu.memory_space<vmem>>) target_semaphore(%run_scoped3A : memref<!tpu.dma_semaphore, #tpu.memory_space<semaphore_mem>>)
        %dma_wait3A = arith.constant 0 : i32
        %dma_wait3A_48 = tpu.memref_slice %arg4[%add3A_29, %dma_wait3A] : memref<1280x128xi32, #tpu.memory_space<hbm>> -> memref<40x128xi32, #tpu.memory_space<hbm>>
        %dma_wait3A_49 = arith.constant 0 : i32
        %dma_wait3A_50 = tpu.memref_slice %arg4[%add3A_29, %dma_wait3A_49] : memref<1280x128xi32, #tpu.memory_space<hbm>> -> memref<40x128xi32, #tpu.memory_space<hbm>>
        tpu.wait_dma2 semaphore(%run_scoped3A : memref<!tpu.dma_semaphore, #tpu.memory_space<semaphore_mem>>) src(%dma_wait3A_50 : memref<40x128xi32, #tpu.memory_space<hbm>>) dst(%arg9 : memref<40x128xi32, #tpu.memory_space<vmem>>)
        tpu.yield
      }) : () -> ()
      %dma_start3A_30 = arith.constant 0 : i32
      %dma_start3A_31 = arith.constant 0 : i32
      %dma_start3A_32 = tpu.memref_slice %arg8[%dma_start3A_30, %dma_start3A_31] : memref<40x128xi32, #tpu.memory_space<vmem>> -> memref<1x128xi32, #tpu.memory_space<vmem>>
      %dma_start3A_33 = tpu.memref_squeeze %dma_start3A_32 : memref<1x128xi32, #tpu.memory_space<vmem>> -> memref<128xi32, #tpu.memory_space<vmem>>
      %dma_start3A_34 = arith.constant 0 : i32
      %dma_start3A_35 = arith.constant 0 : i32
      %dma_start3A_36 = tpu.memref_slice %arg2[%dma_start3A_34, %dma_start3A_35] : memref<20000x128xf32, #tpu.memory_space<hbm>> -> memref<20000x128xf32, #tpu.memory_space<hbm>>
      tpu.enqueue_indirect_dma source(%dma_start3A_36 : memref<20000x128xf32, #tpu.memory_space<hbm>>) target(%arg10 : memref<128x128xf32, #tpu.memory_space<vmem>>) offsets(%dma_start3A_33 : memref<128xi32, #tpu.memory_space<vmem>>) semaphore(%arg12 : memref<!tpu.dma_semaphore, #tpu.memory_space<semaphore_mem>>)
      %eq3A = arith.constant 0 : i32
      %eq3A_37 = arith.cmpi eq, %add3A_16, %eq3A : i32
      %convert_element_type3A = arith.extui %eq3A_37 : i1 to i32
      %cond3A = arith.constant 0 : i32
      %cond3A_38 = arith.cmpi ne, %convert_element_type3A, %cond3A : i32
      scf.if %cond3A_38 {
        %mul3A_44 = arith.constant 640 : i32
        %mul3A_45 = arith.muli %arg1, %mul3A_44 : i32
        %dma_wait3A = arith.constant 0 : i32
        %dma_wait3A_46 = tpu.memref_slice %arg7[%mul3A_45, %dma_wait3A] : memref<10240x128xf32, #tpu.memory_space<vmem_shared>> -> memref<640x128xf32, #tpu.memory_space<vmem_shared>>
        tpu.wait_dma2 semaphore(%arg14 : memref<!tpu.dma_semaphore, #tpu.memory_space<semaphore_mem>>) src(%arg5 : memref<640x128xf32, #tpu.memory_space<hbm>>) dst(%dma_wait3A_46 : memref<640x128xf32, #tpu.memory_space<vmem_shared>>)
        %barrier3A_47 = arith.constant 0 : index
        tpu.barrier barrier_id(%barrier3A_47)
      } else {
      }
      %scan3A_39 = arith.constant 0 : i32
      %scan3A_40 = arith.constant 20 : i32
      %scan3A_41 = arith.addi %scan3A_39, %scan3A_40 : i32
      %scan3A_42 = arith.constant 1 : i32
      scf.for %scan3A_44 = %scan3A_39 to %scan3A_41 step %scan3A_42  : i32 {
        %mul3A_45 = arith.constant 1 : i32
        %mul3A_46 = arith.muli %scan3A_44, %mul3A_45 : i32
        %add3A_47 = arith.constant 0 : i32
        %add3A_48 = arith.addi %add3A_47, %mul3A_46 : i32
        %mul3A_49 = arith.constant 2 : i32
        %mul3A_50 = arith.muli %mul3A_49, %add3A_48 : i32
        %add3A_51 = arith.constant 1 : i32
        %add3A_52 = arith.addi %mul3A_50, %add3A_51 : i32
        %dma_start3A_53 = arith.constant 0 : i32
        %dma_start3A_54 = tpu.memref_slice %arg8[%add3A_52, %dma_start3A_53] : memref<40x128xi32, #tpu.memory_space<vmem>> -> memref<1x128xi32, #tpu.memory_space<vmem>>
        %dma_start3A_55 = tpu.memref_squeeze %dma_start3A_54 : memref<1x128xi32, #tpu.memory_space<vmem>> -> memref<128xi32, #tpu.memory_space<vmem>>
        %dma_start3A_56 = arith.constant 0 : i32
        %dma_start3A_57 = arith.constant 0 : i32
        %dma_start3A_58 = tpu.memref_slice %arg2[%dma_start3A_56, %dma_start3A_57] : memref<20000x128xf32, #tpu.memory_space<hbm>> -> memref<20000x128xf32, #tpu.memory_space<hbm>>
        tpu.enqueue_indirect_dma source(%dma_start3A_58 : memref<20000x128xf32, #tpu.memory_space<hbm>>) target(%arg11 : memref<128x128xf32, #tpu.memory_space<vmem>>) offsets(%dma_start3A_55 : memref<128xi32, #tpu.memory_space<vmem>>) semaphore(%arg13 : memref<!tpu.dma_semaphore, #tpu.memory_space<semaphore_mem>>)
        %dma_wait3A = arith.constant 0 : i32
        %dma_wait3A_59 = tpu.memref_slice %arg8[%mul3A_50, %dma_wait3A] : memref<40x128xi32, #tpu.memory_space<vmem>> -> memref<1x128xi32, #tpu.memory_space<vmem>>
        %dma_wait3A_60 = tpu.memref_squeeze %dma_wait3A_59 : memref<1x128xi32, #tpu.memory_space<vmem>> -> memref<128xi32, #tpu.memory_space<vmem>>
        %dma_wait3A_61 = arith.constant 0 : i32
        %dma_wait3A_62 = arith.constant 0 : i32
        %dma_wait3A_63 = tpu.memref_slice %arg2[%dma_wait3A_61, %dma_wait3A_62] : memref<20000x128xf32, #tpu.memory_space<hbm>> -> memref<20000x128xf32, #tpu.memory_space<hbm>>
        tpu.wait_indirect_dma semaphore(%arg12 : memref<!tpu.dma_semaphore, #tpu.memory_space<semaphore_mem>>) src(%dma_wait3A_63 : memref<20000x128xf32, #tpu.memory_space<hbm>>) dst(%arg10 : memref<128x128xf32, #tpu.memory_space<vmem>>)
        "tpu.region"() ({
          %run_scoped3A = tpu.sem_alloc : memref<!tpu.dma_semaphore, #tpu.memory_space<semaphore_mem>>
          %dma_start3A_80 = arith.constant 0 : i32
          %dma_start3A_81 = tpu.memref_slice %arg9[%mul3A_50, %dma_start3A_80] : memref<40x128xi32, #tpu.memory_space<vmem>> -> memref<1x128xi32, #tpu.memory_space<vmem>>
          %dma_start3A_82 = tpu.memref_squeeze %dma_start3A_81 : memref<1x128xi32, #tpu.memory_space<vmem>> -> memref<128xi32, #tpu.memory_space<vmem>>
          %dma_start3A_83 = arith.constant 0 : i32
          %dma_start3A_84 = arith.constant 0 : i32
          %dma_start3A_85 = tpu.memref_slice %arg7[%dma_start3A_83, %dma_start3A_84] : memref<10240x128xf32, #tpu.memory_space<vmem_shared>> -> memref<10240x128xf32, #tpu.memory_space<vmem_shared>>
          tpu.enqueue_indirect_dma source(%arg10 : memref<128x128xf32, #tpu.memory_space<vmem>>) target(%dma_start3A_85 : memref<10240x128xf32, #tpu.memory_space<vmem_shared>>) offsets(%dma_start3A_82 : memref<128xi32, #tpu.memory_space<vmem>>) semaphore(%run_scoped3A : memref<!tpu.dma_semaphore, #tpu.memory_space<semaphore_mem>>) {add = true}
          %dma_wait3A_86 = arith.constant 0 : i32
          %dma_wait3A_87 = tpu.memref_slice %arg9[%mul3A_50, %dma_wait3A_86] : memref<40x128xi32, #tpu.memory_space<vmem>> -> memref<1x128xi32, #tpu.memory_space<vmem>>
          %dma_wait3A_88 = tpu.memref_squeeze %dma_wait3A_87 : memref<1x128xi32, #tpu.memory_space<vmem>> -> memref<128xi32, #tpu.memory_space<vmem>>
          %dma_wait3A_89 = arith.constant 0 : i32
          %dma_wait3A_90 = arith.constant 0 : i32
          %dma_wait3A_91 = tpu.memref_slice %arg7[%dma_wait3A_89, %dma_wait3A_90] : memref<10240x128xf32, #tpu.memory_space<vmem_shared>> -> memref<10240x128xf32, #tpu.memory_space<vmem_shared>>
          tpu.wait_indirect_dma semaphore(%run_scoped3A : memref<!tpu.dma_semaphore, #tpu.memory_space<semaphore_mem>>) src(%arg10 : memref<128x128xf32, #tpu.memory_space<vmem>>) dst(%dma_wait3A_91 : memref<10240x128xf32, #tpu.memory_space<vmem_shared>>)
          tpu.yield
        }) : () -> ()
        %add3A_64 = arith.constant 2 : i32
        %add3A_65 = arith.addi %mul3A_50, %add3A_64 : i32
        %lt3A = arith.constant 40 : i32
        %lt3A_66 = arith.cmpi slt, %add3A_65, %lt3A : i32
        %convert_element_type3A_67 = arith.extui %lt3A_66 : i1 to i32
        %cond3A_68 = arith.constant 0 : i32
        %cond3A_69 = arith.cmpi ne, %convert_element_type3A_67, %cond3A_68 : i32
        scf.if %cond3A_69 {
          %add3A_80 = arith.constant 2 : i32
          %add3A_81 = arith.addi %mul3A_50, %add3A_80 : i32
          %dma_start3A_82 = arith.constant 0 : i32
          %dma_start3A_83 = tpu.memref_slice %arg8[%add3A_81, %dma_start3A_82] : memref<40x128xi32, #tpu.memory_space<vmem>> -> memref<1x128xi32, #tpu.memory_space<vmem>>
          %dma_start3A_84 = tpu.memref_squeeze %dma_start3A_83 : memref<1x128xi32, #tpu.memory_space<vmem>> -> memref<128xi32, #tpu.memory_space<vmem>>
          %dma_start3A_85 = arith.constant 0 : i32
          %dma_start3A_86 = arith.constant 0 : i32
          %dma_start3A_87 = tpu.memref_slice %arg2[%dma_start3A_85, %dma_start3A_86] : memref<20000x128xf32, #tpu.memory_space<hbm>> -> memref<20000x128xf32, #tpu.memory_space<hbm>>
          tpu.enqueue_indirect_dma source(%dma_start3A_87 : memref<20000x128xf32, #tpu.memory_space<hbm>>) target(%arg10 : memref<128x128xf32, #tpu.memory_space<vmem>>) offsets(%dma_start3A_84 : memref<128xi32, #tpu.memory_space<vmem>>) semaphore(%arg12 : memref<!tpu.dma_semaphore, #tpu.memory_space<semaphore_mem>>)
        } else {
        }
        %add3A_70 = arith.constant 1 : i32
        %add3A_71 = arith.addi %mul3A_50, %add3A_70 : i32
        %dma_wait3A_72 = arith.constant 0 : i32
        %dma_wait3A_73 = tpu.memref_slice %arg8[%add3A_71, %dma_wait3A_72] : memref<40x128xi32, #tpu.memory_space<vmem>> -> memref<1x128xi32, #tpu.memory_space<vmem>>
        %dma_wait3A_74 = tpu.memref_squeeze %dma_wait3A_73 : memref<1x128xi32, #tpu.memory_space<vmem>> -> memref<128xi32, #tpu.memory_space<vmem>>
        %dma_wait3A_75 = arith.constant 0 : i32
        %dma_wait3A_76 = arith.constant 0 : i32
        %dma_wait3A_77 = tpu.memref_slice %arg2[%dma_wait3A_75, %dma_wait3A_76] : memref<20000x128xf32, #tpu.memory_space<hbm>> -> memref<20000x128xf32, #tpu.memory_space<hbm>>
        tpu.wait_indirect_dma semaphore(%arg13 : memref<!tpu.dma_semaphore, #tpu.memory_space<semaphore_mem>>) src(%dma_wait3A_77 : memref<20000x128xf32, #tpu.memory_space<hbm>>) dst(%arg11 : memref<128x128xf32, #tpu.memory_space<vmem>>)
        %add3A_78 = arith.constant 1 : i32
        %add3A_79 = arith.addi %mul3A_50, %add3A_78 : i32
        "tpu.region"() ({
          %run_scoped3A = tpu.sem_alloc : memref<!tpu.dma_semaphore, #tpu.memory_space<semaphore_mem>>
          %dma_start3A_80 = arith.constant 0 : i32
          %dma_start3A_81 = tpu.memref_slice %arg9[%add3A_79, %dma_start3A_80] : memref<40x128xi32, #tpu.memory_space<vmem>> -> memref<1x128xi32, #tpu.memory_space<vmem>>
          %dma_start3A_82 = tpu.memref_squeeze %dma_start3A_81 : memref<1x128xi32, #tpu.memory_space<vmem>> -> memref<128xi32, #tpu.memory_space<vmem>>
          %dma_start3A_83 = arith.constant 0 : i32
          %dma_start3A_84 = arith.constant 0 : i32
          %dma_start3A_85 = tpu.memref_slice %arg7[%dma_start3A_83, %dma_start3A_84] : memref<10240x128xf32, #tpu.memory_space<vmem_shared>> -> memref<10240x128xf32, #tpu.memory_space<vmem_shared>>
          tpu.enqueue_indirect_dma source(%arg11 : memref<128x128xf32, #tpu.memory_space<vmem>>) target(%dma_start3A_85 : memref<10240x128xf32, #tpu.memory_space<vmem_shared>>) offsets(%dma_start3A_82 : memref<128xi32, #tpu.memory_space<vmem>>) semaphore(%run_scoped3A : memref<!tpu.dma_semaphore, #tpu.memory_space<semaphore_mem>>) {add = true}
          %dma_wait3A_86 = arith.constant 0 : i32
          %dma_wait3A_87 = tpu.memref_slice %arg9[%add3A_79, %dma_wait3A_86] : memref<40x128xi32, #tpu.memory_space<vmem>> -> memref<1x128xi32, #tpu.memory_space<vmem>>
          %dma_wait3A_88 = tpu.memref_squeeze %dma_wait3A_87 : memref<1x128xi32, #tpu.memory_space<vmem>> -> memref<128xi32, #tpu.memory_space<vmem>>
          %dma_wait3A_89 = arith.constant 0 : i32
          %dma_wait3A_90 = arith.constant 0 : i32
          %dma_wait3A_91 = tpu.memref_slice %arg7[%dma_wait3A_89, %dma_wait3A_90] : memref<10240x128xf32, #tpu.memory_space<vmem_shared>> -> memref<10240x128xf32, #tpu.memory_space<vmem_shared>>
          tpu.wait_indirect_dma semaphore(%run_scoped3A : memref<!tpu.dma_semaphore, #tpu.memory_space<semaphore_mem>>) src(%arg11 : memref<128x128xf32, #tpu.memory_space<vmem>>) dst(%dma_wait3A_91 : memref<10240x128xf32, #tpu.memory_space<vmem_shared>>)
          tpu.yield
        }) : () -> ()
      }
      %scan3A_43 = arith.constant 20 : i32
    }
    %scan3A_5 = arith.constant 2 : i32
    %barrier3A = arith.constant 0 : index
    tpu.barrier barrier_id(%barrier3A)
    %mul3A_6 = arith.constant 10240 : i32
    %mul3A_7 = arith.muli %arg0, %mul3A_6 : i32
    %mul3A_8 = arith.constant 640 : i32
    %mul3A_9 = arith.muli %arg1, %mul3A_8 : i32
    %add3A = arith.addi %mul3A_7, %mul3A_9 : i32
    %mul3A_10 = arith.constant 640 : i32
    %mul3A_11 = arith.muli %arg1, %mul3A_10 : i32
    "tpu.region"() ({
      %run_scoped3A = tpu.sem_alloc : memref<!tpu.dma_semaphore, #tpu.memory_space<semaphore_mem>>
      %dma_start3A_12 = arith.constant 0 : i32
      %dma_start3A_13 = tpu.memref_slice %arg6[%add3A, %dma_start3A_12] : memref<20480x128xf32, #tpu.memory_space<hbm>> -> memref<640x128xf32, #tpu.memory_space<hbm>>
      %dma_start3A_14 = arith.constant 0 : i32
      %dma_start3A_15 = tpu.memref_slice %arg7[%mul3A_11, %dma_start3A_14] : memref<10240x128xf32, #tpu.memory_space<vmem_shared>> -> memref<640x128xf32, #tpu.memory_space<vmem_shared>>
      tpu.enqueue_dma source(%dma_start3A_15 : memref<640x128xf32, #tpu.memory_space<vmem_shared>>) target(%dma_start3A_13 : memref<640x128xf32, #tpu.memory_space<hbm>>) target_semaphore(%run_scoped3A : memref<!tpu.dma_semaphore, #tpu.memory_space<semaphore_mem>>)
      %dma_wait3A = arith.constant 0 : i32
      %dma_wait3A_16 = tpu.memref_slice %arg6[%add3A, %dma_wait3A] : memref<20480x128xf32, #tpu.memory_space<hbm>> -> memref<640x128xf32, #tpu.memory_space<hbm>>
      %dma_wait3A_17 = arith.constant 0 : i32
      %dma_wait3A_18 = tpu.memref_slice %arg7[%mul3A_11, %dma_wait3A_17] : memref<10240x128xf32, #tpu.memory_space<vmem_shared>> -> memref<640x128xf32, #tpu.memory_space<vmem_shared>>
      tpu.wait_dma2 semaphore(%run_scoped3A : memref<!tpu.dma_semaphore, #tpu.memory_space<semaphore_mem>>) src(%dma_wait3A_18 : memref<640x128xf32, #tpu.memory_space<vmem_shared>>) dst(%dma_wait3A_16 : memref<640x128xf32, #tpu.memory_space<hbm>>)
      tpu.yield
    }) : () -> ()
    return
  }
}

#map = affine_map<(d0, d1) -> (0, 0)>
module attributes {stable_mosaic.version = 14 : i64} {
  func.func @sc_kernel(%arg0: i32, %arg1: i32, %arg2: memref<20000x128xf32, #tpu.memory_space<hbm>>, %arg3: memref<2560x128xi32, #tpu.memory_space<hbm>>, %arg4: memref<1280x128xi32, #tpu.memory_space<hbm>>, %arg5: memref<640x128xf32, #tpu.memory_space<hbm>>, %arg6: memref<20480x128xf32, #tpu.memory_space<hbm>>, %arg7: memref<10240x128xf32, #tpu.memory_space<vmem_shared>>, %arg8: memref<40x128xi32, #tpu.memory_space<vmem>>, %arg9: memref<40x128xi32, #tpu.memory_space<vmem>>, %arg10: memref<128x128xf32, #tpu.memory_space<vmem>>, %arg11: memref<128x128xf32, #tpu.memory_space<vmem>>, %arg12: memref<!tpu.dma_semaphore, #tpu.memory_space<semaphore_mem>>, %arg13: memref<!tpu.dma_semaphore, #tpu.memory_space<semaphore_mem>>, %arg14: memref<!tpu.dma_semaphore, #tpu.memory_space<semaphore_mem>>) attributes {dimension_semantics = [#tpu.dimension_semantics<core_parallel>, #tpu.dimension_semantics<subcore_parallel>], iteration_bounds = array<i64: 2, 16>, scalar_prefetch = 0 : i64, scratch_operands = 8 : i64, tpu.core_type = #tpu.core_type<sc_vector_subcore>, window_params = [{transform_indices = #map}, {transform_indices = #map}, {transform_indices = #map}, {transform_indices = #map}, {transform_indices = #map}]} {
    %mul3A = arith.constant 640 : i32
    %mul3A_0 = arith.muli %arg1, %mul3A : i32
    %dma_start3A = arith.constant 0 : i32
    %dma_start3A_1 = tpu.memref_slice %arg7[%mul3A_0, %dma_start3A] : memref<10240x128xf32, #tpu.memory_space<vmem_shared>> -> memref<640x128xf32, #tpu.memory_space<vmem_shared>>
    tpu.enqueue_dma source(%arg5 : memref<640x128xf32, #tpu.memory_space<hbm>>) target(%dma_start3A_1 : memref<640x128xf32, #tpu.memory_space<vmem_shared>>) target_semaphore(%arg14 : memref<!tpu.dma_semaphore, #tpu.memory_space<semaphore_mem>>)
    %scan3A = arith.constant 0 : i32
    %scan3A_2 = arith.constant 2 : i32
    %scan3A_3 = arith.addi %scan3A, %scan3A_2 : i32
    %scan3A_4 = arith.constant 1 : i32
    scf.for %scan3A_12 = %scan3A to %scan3A_3 step %scan3A_4  : i32 {
      %mul3A_13 = arith.constant 1 : i32
      %mul3A_14 = arith.muli %scan3A_12, %mul3A_13 : i32
      %add3A_15 = arith.constant 0 : i32
      %add3A_16 = arith.addi %add3A_15, %mul3A_14 : i32
      %mul3A_17 = arith.constant 16 : i32
      %mul3A_18 = arith.muli %arg0, %mul3A_17 : i32
      %add3A_19 = arith.addi %mul3A_18, %arg1 : i32
      %mul3A_20 = arith.constant 80 : i32
      %mul3A_21 = arith.muli %add3A_19, %mul3A_20 : i32
      %mul3A_22 = arith.constant 40 : i32
      %mul3A_23 = arith.muli %add3A_16, %mul3A_22 : i32
      %add3A_24 = arith.addi %mul3A_21, %mul3A_23 : i32
      %mul3A_25 = arith.constant 80 : i32
      %mul3A_26 = arith.muli %arg1, %mul3A_25 : i32
      %mul3A_27 = arith.constant 40 : i32
      %mul3A_28 = arith.muli %add3A_16, %mul3A_27 : i32
      %add3A_29 = arith.addi %mul3A_26, %mul3A_28 : i32
      "tpu.region"() ({
        %run_scoped3A = tpu.sem_alloc : memref<!tpu.dma_semaphore, #tpu.memory_space<semaphore_mem>>
        %dma_start3A_44 = arith.constant 0 : i32
        %dma_start3A_45 = tpu.memref_slice %arg3[%add3A_24, %dma_start3A_44] : memref<2560x128xi32, #tpu.memory_space<hbm>> -> memref<40x128xi32, #tpu.memory_space<hbm>>
        %dma_start3A_46 = arith.constant 0 : i32
        %dma_start3A_47 = tpu.memref_slice %arg3[%add3A_24, %dma_start3A_46] : memref<2560x128xi32, #tpu.memory_space<hbm>> -> memref<40x128xi32, #tpu.memory_space<hbm>>
        tpu.enqueue_dma source(%dma_start3A_47 : memref<40x128xi32, #tpu.memory_space<hbm>>) target(%arg8 : memref<40x128xi32, #tpu.memory_space<vmem>>) target_semaphore(%run_scoped3A : memref<!tpu.dma_semaphore, #tpu.memory_space<semaphore_mem>>)
        %dma_wait3A = arith.constant 0 : i32
        %dma_wait3A_48 = tpu.memref_slice %arg3[%add3A_24, %dma_wait3A] : memref<2560x128xi32, #tpu.memory_space<hbm>> -> memref<40x128xi32, #tpu.memory_space<hbm>>
        %dma_wait3A_49 = arith.constant 0 : i32
        %dma_wait3A_50 = tpu.memref_slice %arg3[%add3A_24, %dma_wait3A_49] : memref<2560x128xi32, #tpu.memory_space<hbm>> -> memref<40x128xi32, #tpu.memory_space<hbm>>
        tpu.wait_dma2 semaphore(%run_scoped3A : memref<!tpu.dma_semaphore, #tpu.memory_space<semaphore_mem>>) src(%dma_wait3A_50 : memref<40x128xi32, #tpu.memory_space<hbm>>) dst(%arg8 : memref<40x128xi32, #tpu.memory_space<vmem>>)
        tpu.yield
      }) : () -> ()
      "tpu.region"() ({
        %run_scoped3A = tpu.sem_alloc : memref<!tpu.dma_semaphore, #tpu.memory_space<semaphore_mem>>
        %dma_start3A_44 = arith.constant 0 : i32
        %dma_start3A_45 = tpu.memref_slice %arg4[%add3A_29, %dma_start3A_44] : memref<1280x128xi32, #tpu.memory_space<hbm>> -> memref<40x128xi32, #tpu.memory_space<hbm>>
        %dma_start3A_46 = arith.constant 0 : i32
        %dma_start3A_47 = tpu.memref_slice %arg4[%add3A_29, %dma_start3A_46] : memref<1280x128xi32, #tpu.memory_space<hbm>> -> memref<40x128xi32, #tpu.memory_space<hbm>>
        tpu.enqueue_dma source(%dma_start3A_47 : memref<40x128xi32, #tpu.memory_space<hbm>>) target(%arg9 : memref<40x128xi32, #tpu.memory_space<vmem>>) target_semaphore(%run_scoped3A : memref<!tpu.dma_semaphore, #tpu.memory_space<semaphore_mem>>)
        %dma_wait3A = arith.constant 0 : i32
        %dma_wait3A_48 = tpu.memref_slice %arg4[%add3A_29, %dma_wait3A] : memref<1280x128xi32, #tpu.memory_space<hbm>> -> memref<40x128xi32, #tpu.memory_space<hbm>>
        %dma_wait3A_49 = arith.constant 0 : i32
        %dma_wait3A_50 = tpu.memref_slice %arg4[%add3A_29, %dma_wait3A_49] : memref<1280x128xi32, #tpu.memory_space<hbm>> -> memref<40x128xi32, #tpu.memory_space<hbm>>
        tpu.wait_dma2 semaphore(%run_scoped3A : memref<!tpu.dma_semaphore, #tpu.memory_space<semaphore_mem>>) src(%dma_wait3A_50 : memref<40x128xi32, #tpu.memory_space<hbm>>) dst(%arg9 : memref<40x128xi32, #tpu.memory_space<vmem>>)
        tpu.yield
      }) : () -> ()
      %dma_start3A_30 = arith.constant 0 : i32
      %dma_start3A_31 = arith.constant 0 : i32
      %dma_start3A_32 = tpu.memref_slice %arg8[%dma_start3A_30, %dma_start3A_31] : memref<40x128xi32, #tpu.memory_space<vmem>> -> memref<1x128xi32, #tpu.memory_space<vmem>>
      %dma_start3A_33 = tpu.memref_squeeze %dma_start3A_32 : memref<1x128xi32, #tpu.memory_space<vmem>> -> memref<128xi32, #tpu.memory_space<vmem>>
      %dma_start3A_34 = arith.constant 0 : i32
      %dma_start3A_35 = arith.constant 0 : i32
      %dma_start3A_36 = tpu.memref_slice %arg2[%dma_start3A_34, %dma_start3A_35] : memref<20000x128xf32, #tpu.memory_space<hbm>> -> memref<20000x128xf32, #tpu.memory_space<hbm>>
      tpu.enqueue_indirect_dma source(%dma_start3A_36 : memref<20000x128xf32, #tpu.memory_space<hbm>>) target(%arg10 : memref<128x128xf32, #tpu.memory_space<vmem>>) offsets(%dma_start3A_33 : memref<128xi32, #tpu.memory_space<vmem>>) semaphore(%arg12 : memref<!tpu.dma_semaphore, #tpu.memory_space<semaphore_mem>>)
      %eq3A = arith.constant 0 : i32
      %eq3A_37 = arith.cmpi eq, %add3A_16, %eq3A : i32
      %convert_element_type3A = arith.extui %eq3A_37 : i1 to i32
      %cond3A = arith.constant 0 : i32
      %cond3A_38 = arith.cmpi ne, %convert_element_type3A, %cond3A : i32
      scf.if %cond3A_38 {
        %mul3A_44 = arith.constant 640 : i32
        %mul3A_45 = arith.muli %arg1, %mul3A_44 : i32
        %dma_wait3A = arith.constant 0 : i32
        %dma_wait3A_46 = tpu.memref_slice %arg7[%mul3A_45, %dma_wait3A] : memref<10240x128xf32, #tpu.memory_space<vmem_shared>> -> memref<640x128xf32, #tpu.memory_space<vmem_shared>>
        tpu.wait_dma2 semaphore(%arg14 : memref<!tpu.dma_semaphore, #tpu.memory_space<semaphore_mem>>) src(%arg5 : memref<640x128xf32, #tpu.memory_space<hbm>>) dst(%dma_wait3A_46 : memref<640x128xf32, #tpu.memory_space<vmem_shared>>)
        %barrier3A_47 = arith.constant 0 : index
        tpu.barrier barrier_id(%barrier3A_47)
      } else {
      }
      %scan3A_39 = arith.constant 0 : i32
      %scan3A_40 = arith.constant 20 : i32
      %scan3A_41 = arith.addi %scan3A_39, %scan3A_40 : i32
      %scan3A_42 = arith.constant 1 : i32
      scf.for %scan3A_44 = %scan3A_39 to %scan3A_41 step %scan3A_42  : i32 {
        %mul3A_45 = arith.constant 1 : i32
        %mul3A_46 = arith.muli %scan3A_44, %mul3A_45 : i32
        %add3A_47 = arith.constant 0 : i32
        %add3A_48 = arith.addi %add3A_47, %mul3A_46 : i32
        %mul3A_49 = arith.constant 2 : i32
        %mul3A_50 = arith.muli %mul3A_49, %add3A_48 : i32
        %add3A_51 = arith.constant 1 : i32
        %add3A_52 = arith.addi %mul3A_50, %add3A_51 : i32
        %dma_start3A_53 = arith.constant 0 : i32
        %dma_start3A_54 = tpu.memref_slice %arg8[%add3A_52, %dma_start3A_53] : memref<40x128xi32, #tpu.memory_space<vmem>> -> memref<1x128xi32, #tpu.memory_space<vmem>>
        %dma_start3A_55 = tpu.memref_squeeze %dma_start3A_54 : memref<1x128xi32, #tpu.memory_space<vmem>> -> memref<128xi32, #tpu.memory_space<vmem>>
        %dma_start3A_56 = arith.constant 0 : i32
        %dma_start3A_57 = arith.constant 0 : i32
        %dma_start3A_58 = tpu.memref_slice %arg2[%dma_start3A_56, %dma_start3A_57] : memref<20000x128xf32, #tpu.memory_space<hbm>> -> memref<20000x128xf32, #tpu.memory_space<hbm>>
        tpu.enqueue_indirect_dma source(%dma_start3A_58 : memref<20000x128xf32, #tpu.memory_space<hbm>>) target(%arg11 : memref<128x128xf32, #tpu.memory_space<vmem>>) offsets(%dma_start3A_55 : memref<128xi32, #tpu.memory_space<vmem>>) semaphore(%arg13 : memref<!tpu.dma_semaphore, #tpu.memory_space<semaphore_mem>>)
        %dma_wait3A = arith.constant 0 : i32
        %dma_wait3A_59 = tpu.memref_slice %arg8[%mul3A_50, %dma_wait3A] : memref<40x128xi32, #tpu.memory_space<vmem>> -> memref<1x128xi32, #tpu.memory_space<vmem>>
        %dma_wait3A_60 = tpu.memref_squeeze %dma_wait3A_59 : memref<1x128xi32, #tpu.memory_space<vmem>> -> memref<128xi32, #tpu.memory_space<vmem>>
        %dma_wait3A_61 = arith.constant 0 : i32
        %dma_wait3A_62 = arith.constant 0 : i32
        %dma_wait3A_63 = tpu.memref_slice %arg2[%dma_wait3A_61, %dma_wait3A_62] : memref<20000x128xf32, #tpu.memory_space<hbm>> -> memref<20000x128xf32, #tpu.memory_space<hbm>>
        tpu.wait_indirect_dma semaphore(%arg12 : memref<!tpu.dma_semaphore, #tpu.memory_space<semaphore_mem>>) src(%dma_wait3A_63 : memref<20000x128xf32, #tpu.memory_space<hbm>>) dst(%arg10 : memref<128x128xf32, #tpu.memory_space<vmem>>)
        "tpu.region"() ({
          %run_scoped3A = tpu.sem_alloc : memref<!tpu.dma_semaphore, #tpu.memory_space<semaphore_mem>>
          %dma_start3A_80 = arith.constant 0 : i32
          %dma_start3A_81 = tpu.memref_slice %arg9[%mul3A_50, %dma_start3A_80] : memref<40x128xi32, #tpu.memory_space<vmem>> -> memref<1x128xi32, #tpu.memory_space<vmem>>
          %dma_start3A_82 = tpu.memref_squeeze %dma_start3A_81 : memref<1x128xi32, #tpu.memory_space<vmem>> -> memref<128xi32, #tpu.memory_space<vmem>>
          %dma_start3A_83 = arith.constant 0 : i32
          %dma_start3A_84 = arith.constant 0 : i32
          %dma_start3A_85 = tpu.memref_slice %arg7[%dma_start3A_83, %dma_start3A_84] : memref<10240x128xf32, #tpu.memory_space<vmem_shared>> -> memref<10240x128xf32, #tpu.memory_space<vmem_shared>>
          tpu.enqueue_indirect_dma source(%arg10 : memref<128x128xf32, #tpu.memory_space<vmem>>) target(%dma_start3A_85 : memref<10240x128xf32, #tpu.memory_space<vmem_shared>>) offsets(%dma_start3A_82 : memref<128xi32, #tpu.memory_space<vmem>>) semaphore(%run_scoped3A : memref<!tpu.dma_semaphore, #tpu.memory_space<semaphore_mem>>) {add = true}
          %dma_wait3A_86 = arith.constant 0 : i32
          %dma_wait3A_87 = tpu.memref_slice %arg9[%mul3A_50, %dma_wait3A_86] : memref<40x128xi32, #tpu.memory_space<vmem>> -> memref<1x128xi32, #tpu.memory_space<vmem>>
          %dma_wait3A_88 = tpu.memref_squeeze %dma_wait3A_87 : memref<1x128xi32, #tpu.memory_space<vmem>> -> memref<128xi32, #tpu.memory_space<vmem>>
          %dma_wait3A_89 = arith.constant 0 : i32
          %dma_wait3A_90 = arith.constant 0 : i32
          %dma_wait3A_91 = tpu.memref_slice %arg7[%dma_wait3A_89, %dma_wait3A_90] : memref<10240x128xf32, #tpu.memory_space<vmem_shared>> -> memref<10240x128xf32, #tpu.memory_space<vmem_shared>>
          tpu.wait_indirect_dma semaphore(%run_scoped3A : memref<!tpu.dma_semaphore, #tpu.memory_space<semaphore_mem>>) src(%arg10 : memref<128x128xf32, #tpu.memory_space<vmem>>) dst(%dma_wait3A_91 : memref<10240x128xf32, #tpu.memory_space<vmem_shared>>)
          tpu.yield
        }) : () -> ()
        %add3A_64 = arith.constant 2 : i32
        %add3A_65 = arith.addi %mul3A_50, %add3A_64 : i32
        %lt3A = arith.constant 40 : i32
        %lt3A_66 = arith.cmpi slt, %add3A_65, %lt3A : i32
        %convert_element_type3A_67 = arith.extui %lt3A_66 : i1 to i32
        %cond3A_68 = arith.constant 0 : i32
        %cond3A_69 = arith.cmpi ne, %convert_element_type3A_67, %cond3A_68 : i32
        scf.if %cond3A_69 {
          %add3A_80 = arith.constant 2 : i32
          %add3A_81 = arith.addi %mul3A_50, %add3A_80 : i32
          %dma_start3A_82 = arith.constant 0 : i32
          %dma_start3A_83 = tpu.memref_slice %arg8[%add3A_81, %dma_start3A_82] : memref<40x128xi32, #tpu.memory_space<vmem>> -> memref<1x128xi32, #tpu.memory_space<vmem>>
          %dma_start3A_84 = tpu.memref_squeeze %dma_start3A_83 : memref<1x128xi32, #tpu.memory_space<vmem>> -> memref<128xi32, #tpu.memory_space<vmem>>
          %dma_start3A_85 = arith.constant 0 : i32
          %dma_start3A_86 = arith.constant 0 : i32
          %dma_start3A_87 = tpu.memref_slice %arg2[%dma_start3A_85, %dma_start3A_86] : memref<20000x128xf32, #tpu.memory_space<hbm>> -> memref<20000x128xf32, #tpu.memory_space<hbm>>
          tpu.enqueue_indirect_dma source(%dma_start3A_87 : memref<20000x128xf32, #tpu.memory_space<hbm>>) target(%arg10 : memref<128x128xf32, #tpu.memory_space<vmem>>) offsets(%dma_start3A_84 : memref<128xi32, #tpu.memory_space<vmem>>) semaphore(%arg12 : memref<!tpu.dma_semaphore, #tpu.memory_space<semaphore_mem>>)
        } else {
        }
        %add3A_70 = arith.constant 1 : i32
        %add3A_71 = arith.addi %mul3A_50, %add3A_70 : i32
        %dma_wait3A_72 = arith.constant 0 : i32
        %dma_wait3A_73 = tpu.memref_slice %arg8[%add3A_71, %dma_wait3A_72] : memref<40x128xi32, #tpu.memory_space<vmem>> -> memref<1x128xi32, #tpu.memory_space<vmem>>
        %dma_wait3A_74 = tpu.memref_squeeze %dma_wait3A_73 : memref<1x128xi32, #tpu.memory_space<vmem>> -> memref<128xi32, #tpu.memory_space<vmem>>
        %dma_wait3A_75 = arith.constant 0 : i32
        %dma_wait3A_76 = arith.constant 0 : i32
        %dma_wait3A_77 = tpu.memref_slice %arg2[%dma_wait3A_75, %dma_wait3A_76] : memref<20000x128xf32, #tpu.memory_space<hbm>> -> memref<20000x128xf32, #tpu.memory_space<hbm>>
        tpu.wait_indirect_dma semaphore(%arg13 : memref<!tpu.dma_semaphore, #tpu.memory_space<semaphore_mem>>) src(%dma_wait3A_77 : memref<20000x128xf32, #tpu.memory_space<hbm>>) dst(%arg11 : memref<128x128xf32, #tpu.memory_space<vmem>>)
        %add3A_78 = arith.constant 1 : i32
        %add3A_79 = arith.addi %mul3A_50, %add3A_78 : i32
        "tpu.region"() ({
          %run_scoped3A = tpu.sem_alloc : memref<!tpu.dma_semaphore, #tpu.memory_space<semaphore_mem>>
          %dma_start3A_80 = arith.constant 0 : i32
          %dma_start3A_81 = tpu.memref_slice %arg9[%add3A_79, %dma_start3A_80] : memref<40x128xi32, #tpu.memory_space<vmem>> -> memref<1x128xi32, #tpu.memory_space<vmem>>
          %dma_start3A_82 = tpu.memref_squeeze %dma_start3A_81 : memref<1x128xi32, #tpu.memory_space<vmem>> -> memref<128xi32, #tpu.memory_space<vmem>>
          %dma_start3A_83 = arith.constant 0 : i32
          %dma_start3A_84 = arith.constant 0 : i32
          %dma_start3A_85 = tpu.memref_slice %arg7[%dma_start3A_83, %dma_start3A_84] : memref<10240x128xf32, #tpu.memory_space<vmem_shared>> -> memref<10240x128xf32, #tpu.memory_space<vmem_shared>>
          tpu.enqueue_indirect_dma source(%arg11 : memref<128x128xf32, #tpu.memory_space<vmem>>) target(%dma_start3A_85 : memref<10240x128xf32, #tpu.memory_space<vmem_shared>>) offsets(%dma_start3A_82 : memref<128xi32, #tpu.memory_space<vmem>>) semaphore(%run_scoped3A : memref<!tpu.dma_semaphore, #tpu.memory_space<semaphore_mem>>) {add = true}
          %dma_wait3A_86 = arith.constant 0 : i32
          %dma_wait3A_87 = tpu.memref_slice %arg9[%add3A_79, %dma_wait3A_86] : memref<40x128xi32, #tpu.memory_space<vmem>> -> memref<1x128xi32, #tpu.memory_space<vmem>>
          %dma_wait3A_88 = tpu.memref_squeeze %dma_wait3A_87 : memref<1x128xi32, #tpu.memory_space<vmem>> -> memref<128xi32, #tpu.memory_space<vmem>>
          %dma_wait3A_89 = arith.constant 0 : i32
          %dma_wait3A_90 = arith.constant 0 : i32
          %dma_wait3A_91 = tpu.memref_slice %arg7[%dma_wait3A_89, %dma_wait3A_90] : memref<10240x128xf32, #tpu.memory_space<vmem_shared>> -> memref<10240x128xf32, #tpu.memory_space<vmem_shared>>
          tpu.wait_indirect_dma semaphore(%run_scoped3A : memref<!tpu.dma_semaphore, #tpu.memory_space<semaphore_mem>>) src(%arg11 : memref<128x128xf32, #tpu.memory_space<vmem>>) dst(%dma_wait3A_91 : memref<10240x128xf32, #tpu.memory_space<vmem_shared>>)
          tpu.yield
        }) : () -> ()
      }
      %scan3A_43 = arith.constant 20 : i32
    }
    %scan3A_5 = arith.constant 2 : i32
    %barrier3A = arith.constant 0 : index
    tpu.barrier barrier_id(%barrier3A)
    %mul3A_6 = arith.constant 10240 : i32
    %mul3A_7 = arith.muli %arg0, %mul3A_6 : i32
    %mul3A_8 = arith.constant 640 : i32
    %mul3A_9 = arith.muli %arg1, %mul3A_8 : i32
    %add3A = arith.addi %mul3A_7, %mul3A_9 : i32
    %mul3A_10 = arith.constant 640 : i32
    %mul3A_11 = arith.muli %arg1, %mul3A_10 : i32
    "tpu.region"() ({
      %run_scoped3A = tpu.sem_alloc : memref<!tpu.dma_semaphore, #tpu.memory_space<semaphore_mem>>
      %dma_start3A_12 = arith.constant 0 : i32
      %dma_start3A_13 = tpu.memref_slice %arg6[%add3A, %dma_start3A_12] : memref<20480x128xf32, #tpu.memory_space<hbm>> -> memref<640x128xf32, #tpu.memory_space<hbm>>
      %dma_start3A_14 = arith.constant 0 : i32
      %dma_start3A_15 = tpu.memref_slice %arg7[%mul3A_11, %dma_start3A_14] : memref<10240x128xf32, #tpu.memory_space<vmem_shared>> -> memref<640x128xf32, #tpu.memory_space<vmem_shared>>
      tpu.enqueue_dma source(%dma_start3A_15 : memref<640x128xf32, #tpu.memory_space<vmem_shared>>) target(%dma_start3A_13 : memref<640x128xf32, #tpu.memory_space<hbm>>) target_semaphore(%run_scoped3A : memref<!tpu.dma_semaphore, #tpu.memory_space<semaphore_mem>>)
      %dma_wait3A = arith.constant 0 : i32
      %dma_wait3A_16 = tpu.memref_slice %arg6[%add3A, %dma_wait3A] : memref<20480x128xf32, #tpu.memory_space<hbm>> -> memref<640x128xf32, #tpu.memory_space<hbm>>
      %dma_wait3A_17 = arith.constant 0 : i32
      %dma_wait3A_18 = tpu.memref_slice %arg7[%mul3A_11, %dma_wait3A_17] : memref<10240x128xf32, #tpu.memory_space<vmem_shared>> -> memref<640x128xf32, #tpu.memory_space<vmem_shared>>
      tpu.wait_dma2 semaphore(%run_scoped3A : memref<!tpu.dma_semaphore, #tpu.memory_space<semaphore_mem>>) src(%dma_wait3A_18 : memref<640x128xf32, #tpu.memory_space<vmem_shared>>) dst(%dma_wait3A_16 : memref<640x128xf32, #tpu.memory_space<hbm>>)
      tpu.yield
    }) : () -> ()
    return
  }
}

#map = affine_map<(d0, d1) -> (0, 0)>
module attributes {stable_mosaic.version = 14 : i64} {
  func.func @sc_kernel(%arg0: i32, %arg1: i32, %arg2: memref<20000x128xf32, #tpu.memory_space<hbm>>, %arg3: memref<2560x128xi32, #tpu.memory_space<hbm>>, %arg4: memref<1280x128xi32, #tpu.memory_space<hbm>>, %arg5: memref<640x128xf32, #tpu.memory_space<hbm>>, %arg6: memref<20480x128xf32, #tpu.memory_space<hbm>>, %arg7: memref<10240x128xf32, #tpu.memory_space<vmem_shared>>, %arg8: memref<40x128xi32, #tpu.memory_space<vmem>>, %arg9: memref<40x128xi32, #tpu.memory_space<vmem>>, %arg10: memref<128x128xf32, #tpu.memory_space<vmem>>, %arg11: memref<128x128xf32, #tpu.memory_space<vmem>>, %arg12: memref<!tpu.dma_semaphore, #tpu.memory_space<semaphore_mem>>, %arg13: memref<!tpu.dma_semaphore, #tpu.memory_space<semaphore_mem>>, %arg14: memref<!tpu.dma_semaphore, #tpu.memory_space<semaphore_mem>>) attributes {dimension_semantics = [#tpu.dimension_semantics<core_parallel>, #tpu.dimension_semantics<subcore_parallel>], iteration_bounds = array<i64: 2, 16>, scalar_prefetch = 0 : i64, scratch_operands = 8 : i64, tpu.core_type = #tpu.core_type<sc_vector_subcore>, window_params = [{transform_indices = #map}, {transform_indices = #map}, {transform_indices = #map}, {transform_indices = #map}, {transform_indices = #map}]} {
    %mul3A = arith.constant 640 : i32
    %mul3A_0 = arith.muli %arg1, %mul3A : i32
    %dma_start3A = arith.constant 0 : i32
    %dma_start3A_1 = tpu.memref_slice %arg7[%mul3A_0, %dma_start3A] : memref<10240x128xf32, #tpu.memory_space<vmem_shared>> -> memref<640x128xf32, #tpu.memory_space<vmem_shared>>
    tpu.enqueue_dma source(%arg5 : memref<640x128xf32, #tpu.memory_space<hbm>>) target(%dma_start3A_1 : memref<640x128xf32, #tpu.memory_space<vmem_shared>>) target_semaphore(%arg14 : memref<!tpu.dma_semaphore, #tpu.memory_space<semaphore_mem>>)
    %scan3A = arith.constant 0 : i32
    %scan3A_2 = arith.constant 2 : i32
    %scan3A_3 = arith.addi %scan3A, %scan3A_2 : i32
    %scan3A_4 = arith.constant 1 : i32
    scf.for %scan3A_12 = %scan3A to %scan3A_3 step %scan3A_4  : i32 {
      %mul3A_13 = arith.constant 1 : i32
      %mul3A_14 = arith.muli %scan3A_12, %mul3A_13 : i32
      %add3A_15 = arith.constant 0 : i32
      %add3A_16 = arith.addi %add3A_15, %mul3A_14 : i32
      %mul3A_17 = arith.constant 16 : i32
      %mul3A_18 = arith.muli %arg0, %mul3A_17 : i32
      %add3A_19 = arith.addi %mul3A_18, %arg1 : i32
      %mul3A_20 = arith.constant 80 : i32
      %mul3A_21 = arith.muli %add3A_19, %mul3A_20 : i32
      %mul3A_22 = arith.constant 40 : i32
      %mul3A_23 = arith.muli %add3A_16, %mul3A_22 : i32
      %add3A_24 = arith.addi %mul3A_21, %mul3A_23 : i32
      %mul3A_25 = arith.constant 80 : i32
      %mul3A_26 = arith.muli %arg1, %mul3A_25 : i32
      %mul3A_27 = arith.constant 40 : i32
      %mul3A_28 = arith.muli %add3A_16, %mul3A_27 : i32
      %add3A_29 = arith.addi %mul3A_26, %mul3A_28 : i32
      "tpu.region"() ({
        %run_scoped3A = tpu.sem_alloc : memref<!tpu.dma_semaphore, #tpu.memory_space<semaphore_mem>>
        %dma_start3A_44 = arith.constant 0 : i32
        %dma_start3A_45 = tpu.memref_slice %arg3[%add3A_24, %dma_start3A_44] : memref<2560x128xi32, #tpu.memory_space<hbm>> -> memref<40x128xi32, #tpu.memory_space<hbm>>
        %dma_start3A_46 = arith.constant 0 : i32
        %dma_start3A_47 = tpu.memref_slice %arg3[%add3A_24, %dma_start3A_46] : memref<2560x128xi32, #tpu.memory_space<hbm>> -> memref<40x128xi32, #tpu.memory_space<hbm>>
        tpu.enqueue_dma source(%dma_start3A_47 : memref<40x128xi32, #tpu.memory_space<hbm>>) target(%arg8 : memref<40x128xi32, #tpu.memory_space<vmem>>) target_semaphore(%run_scoped3A : memref<!tpu.dma_semaphore, #tpu.memory_space<semaphore_mem>>)
        %dma_wait3A = arith.constant 0 : i32
        %dma_wait3A_48 = tpu.memref_slice %arg3[%add3A_24, %dma_wait3A] : memref<2560x128xi32, #tpu.memory_space<hbm>> -> memref<40x128xi32, #tpu.memory_space<hbm>>
        %dma_wait3A_49 = arith.constant 0 : i32
        %dma_wait3A_50 = tpu.memref_slice %arg3[%add3A_24, %dma_wait3A_49] : memref<2560x128xi32, #tpu.memory_space<hbm>> -> memref<40x128xi32, #tpu.memory_space<hbm>>
        tpu.wait_dma2 semaphore(%run_scoped3A : memref<!tpu.dma_semaphore, #tpu.memory_space<semaphore_mem>>) src(%dma_wait3A_50 : memref<40x128xi32, #tpu.memory_space<hbm>>) dst(%arg8 : memref<40x128xi32, #tpu.memory_space<vmem>>)
        tpu.yield
      }) : () -> ()
      "tpu.region"() ({
        %run_scoped3A = tpu.sem_alloc : memref<!tpu.dma_semaphore, #tpu.memory_space<semaphore_mem>>
        %dma_start3A_44 = arith.constant 0 : i32
        %dma_start3A_45 = tpu.memref_slice %arg4[%add3A_29, %dma_start3A_44] : memref<1280x128xi32, #tpu.memory_space<hbm>> -> memref<40x128xi32, #tpu.memory_space<hbm>>
        %dma_start3A_46 = arith.constant 0 : i32
        %dma_start3A_47 = tpu.memref_slice %arg4[%add3A_29, %dma_start3A_46] : memref<1280x128xi32, #tpu.memory_space<hbm>> -> memref<40x128xi32, #tpu.memory_space<hbm>>
        tpu.enqueue_dma source(%dma_start3A_47 : memref<40x128xi32, #tpu.memory_space<hbm>>) target(%arg9 : memref<40x128xi32, #tpu.memory_space<vmem>>) target_semaphore(%run_scoped3A : memref<!tpu.dma_semaphore, #tpu.memory_space<semaphore_mem>>)
        %dma_wait3A = arith.constant 0 : i32
        %dma_wait3A_48 = tpu.memref_slice %arg4[%add3A_29, %dma_wait3A] : memref<1280x128xi32, #tpu.memory_space<hbm>> -> memref<40x128xi32, #tpu.memory_space<hbm>>
        %dma_wait3A_49 = arith.constant 0 : i32
        %dma_wait3A_50 = tpu.memref_slice %arg4[%add3A_29, %dma_wait3A_49] : memref<1280x128xi32, #tpu.memory_space<hbm>> -> memref<40x128xi32, #tpu.memory_space<hbm>>
        tpu.wait_dma2 semaphore(%run_scoped3A : memref<!tpu.dma_semaphore, #tpu.memory_space<semaphore_mem>>) src(%dma_wait3A_50 : memref<40x128xi32, #tpu.memory_space<hbm>>) dst(%arg9 : memref<40x128xi32, #tpu.memory_space<vmem>>)
        tpu.yield
      }) : () -> ()
      %dma_start3A_30 = arith.constant 0 : i32
      %dma_start3A_31 = arith.constant 0 : i32
      %dma_start3A_32 = tpu.memref_slice %arg8[%dma_start3A_30, %dma_start3A_31] : memref<40x128xi32, #tpu.memory_space<vmem>> -> memref<1x128xi32, #tpu.memory_space<vmem>>
      %dma_start3A_33 = tpu.memref_squeeze %dma_start3A_32 : memref<1x128xi32, #tpu.memory_space<vmem>> -> memref<128xi32, #tpu.memory_space<vmem>>
      %dma_start3A_34 = arith.constant 0 : i32
      %dma_start3A_35 = arith.constant 0 : i32
      %dma_start3A_36 = tpu.memref_slice %arg2[%dma_start3A_34, %dma_start3A_35] : memref<20000x128xf32, #tpu.memory_space<hbm>> -> memref<20000x128xf32, #tpu.memory_space<hbm>>
      tpu.enqueue_indirect_dma source(%dma_start3A_36 : memref<20000x128xf32, #tpu.memory_space<hbm>>) target(%arg10 : memref<128x128xf32, #tpu.memory_space<vmem>>) offsets(%dma_start3A_33 : memref<128xi32, #tpu.memory_space<vmem>>) semaphore(%arg12 : memref<!tpu.dma_semaphore, #tpu.memory_space<semaphore_mem>>)
      %eq3A = arith.constant 0 : i32
      %eq3A_37 = arith.cmpi eq, %add3A_16, %eq3A : i32
      %convert_element_type3A = arith.extui %eq3A_37 : i1 to i32
      %cond3A = arith.constant 0 : i32
      %cond3A_38 = arith.cmpi ne, %convert_element_type3A, %cond3A : i32
      scf.if %cond3A_38 {
        %mul3A_44 = arith.constant 640 : i32
        %mul3A_45 = arith.muli %arg1, %mul3A_44 : i32
        %dma_wait3A = arith.constant 0 : i32
        %dma_wait3A_46 = tpu.memref_slice %arg7[%mul3A_45, %dma_wait3A] : memref<10240x128xf32, #tpu.memory_space<vmem_shared>> -> memref<640x128xf32, #tpu.memory_space<vmem_shared>>
        tpu.wait_dma2 semaphore(%arg14 : memref<!tpu.dma_semaphore, #tpu.memory_space<semaphore_mem>>) src(%arg5 : memref<640x128xf32, #tpu.memory_space<hbm>>) dst(%dma_wait3A_46 : memref<640x128xf32, #tpu.memory_space<vmem_shared>>)
        %barrier3A_47 = arith.constant 0 : index
        tpu.barrier barrier_id(%barrier3A_47)
      } else {
      }
      %scan3A_39 = arith.constant 0 : i32
      %scan3A_40 = arith.constant 20 : i32
      %scan3A_41 = arith.addi %scan3A_39, %scan3A_40 : i32
      %scan3A_42 = arith.constant 1 : i32
      scf.for %scan3A_44 = %scan3A_39 to %scan3A_41 step %scan3A_42  : i32 {
        %mul3A_45 = arith.constant 1 : i32
        %mul3A_46 = arith.muli %scan3A_44, %mul3A_45 : i32
        %add3A_47 = arith.constant 0 : i32
        %add3A_48 = arith.addi %add3A_47, %mul3A_46 : i32
        %mul3A_49 = arith.constant 2 : i32
        %mul3A_50 = arith.muli %mul3A_49, %add3A_48 : i32
        %add3A_51 = arith.constant 1 : i32
        %add3A_52 = arith.addi %mul3A_50, %add3A_51 : i32
        %dma_start3A_53 = arith.constant 0 : i32
        %dma_start3A_54 = tpu.memref_slice %arg8[%add3A_52, %dma_start3A_53] : memref<40x128xi32, #tpu.memory_space<vmem>> -> memref<1x128xi32, #tpu.memory_space<vmem>>
        %dma_start3A_55 = tpu.memref_squeeze %dma_start3A_54 : memref<1x128xi32, #tpu.memory_space<vmem>> -> memref<128xi32, #tpu.memory_space<vmem>>
        %dma_start3A_56 = arith.constant 0 : i32
        %dma_start3A_57 = arith.constant 0 : i32
        %dma_start3A_58 = tpu.memref_slice %arg2[%dma_start3A_56, %dma_start3A_57] : memref<20000x128xf32, #tpu.memory_space<hbm>> -> memref<20000x128xf32, #tpu.memory_space<hbm>>
        tpu.enqueue_indirect_dma source(%dma_start3A_58 : memref<20000x128xf32, #tpu.memory_space<hbm>>) target(%arg11 : memref<128x128xf32, #tpu.memory_space<vmem>>) offsets(%dma_start3A_55 : memref<128xi32, #tpu.memory_space<vmem>>) semaphore(%arg13 : memref<!tpu.dma_semaphore, #tpu.memory_space<semaphore_mem>>)
        %dma_wait3A = arith.constant 0 : i32
        %dma_wait3A_59 = tpu.memref_slice %arg8[%mul3A_50, %dma_wait3A] : memref<40x128xi32, #tpu.memory_space<vmem>> -> memref<1x128xi32, #tpu.memory_space<vmem>>
        %dma_wait3A_60 = tpu.memref_squeeze %dma_wait3A_59 : memref<1x128xi32, #tpu.memory_space<vmem>> -> memref<128xi32, #tpu.memory_space<vmem>>
        %dma_wait3A_61 = arith.constant 0 : i32
        %dma_wait3A_62 = arith.constant 0 : i32
        %dma_wait3A_63 = tpu.memref_slice %arg2[%dma_wait3A_61, %dma_wait3A_62] : memref<20000x128xf32, #tpu.memory_space<hbm>> -> memref<20000x128xf32, #tpu.memory_space<hbm>>
        tpu.wait_indirect_dma semaphore(%arg12 : memref<!tpu.dma_semaphore, #tpu.memory_space<semaphore_mem>>) src(%dma_wait3A_63 : memref<20000x128xf32, #tpu.memory_space<hbm>>) dst(%arg10 : memref<128x128xf32, #tpu.memory_space<vmem>>)
        "tpu.region"() ({
          %run_scoped3A = tpu.sem_alloc : memref<!tpu.dma_semaphore, #tpu.memory_space<semaphore_mem>>
          %dma_start3A_80 = arith.constant 0 : i32
          %dma_start3A_81 = tpu.memref_slice %arg9[%mul3A_50, %dma_start3A_80] : memref<40x128xi32, #tpu.memory_space<vmem>> -> memref<1x128xi32, #tpu.memory_space<vmem>>
          %dma_start3A_82 = tpu.memref_squeeze %dma_start3A_81 : memref<1x128xi32, #tpu.memory_space<vmem>> -> memref<128xi32, #tpu.memory_space<vmem>>
          %dma_start3A_83 = arith.constant 0 : i32
          %dma_start3A_84 = arith.constant 0 : i32
          %dma_start3A_85 = tpu.memref_slice %arg7[%dma_start3A_83, %dma_start3A_84] : memref<10240x128xf32, #tpu.memory_space<vmem_shared>> -> memref<10240x128xf32, #tpu.memory_space<vmem_shared>>
          tpu.enqueue_indirect_dma source(%arg10 : memref<128x128xf32, #tpu.memory_space<vmem>>) target(%dma_start3A_85 : memref<10240x128xf32, #tpu.memory_space<vmem_shared>>) offsets(%dma_start3A_82 : memref<128xi32, #tpu.memory_space<vmem>>) semaphore(%run_scoped3A : memref<!tpu.dma_semaphore, #tpu.memory_space<semaphore_mem>>) {add = true}
          %dma_wait3A_86 = arith.constant 0 : i32
          %dma_wait3A_87 = tpu.memref_slice %arg9[%mul3A_50, %dma_wait3A_86] : memref<40x128xi32, #tpu.memory_space<vmem>> -> memref<1x128xi32, #tpu.memory_space<vmem>>
          %dma_wait3A_88 = tpu.memref_squeeze %dma_wait3A_87 : memref<1x128xi32, #tpu.memory_space<vmem>> -> memref<128xi32, #tpu.memory_space<vmem>>
          %dma_wait3A_89 = arith.constant 0 : i32
          %dma_wait3A_90 = arith.constant 0 : i32
          %dma_wait3A_91 = tpu.memref_slice %arg7[%dma_wait3A_89, %dma_wait3A_90] : memref<10240x128xf32, #tpu.memory_space<vmem_shared>> -> memref<10240x128xf32, #tpu.memory_space<vmem_shared>>
          tpu.wait_indirect_dma semaphore(%run_scoped3A : memref<!tpu.dma_semaphore, #tpu.memory_space<semaphore_mem>>) src(%arg10 : memref<128x128xf32, #tpu.memory_space<vmem>>) dst(%dma_wait3A_91 : memref<10240x128xf32, #tpu.memory_space<vmem_shared>>)
          tpu.yield
        }) : () -> ()
        %add3A_64 = arith.constant 2 : i32
        %add3A_65 = arith.addi %mul3A_50, %add3A_64 : i32
        %lt3A = arith.constant 40 : i32
        %lt3A_66 = arith.cmpi slt, %add3A_65, %lt3A : i32
        %convert_element_type3A_67 = arith.extui %lt3A_66 : i1 to i32
        %cond3A_68 = arith.constant 0 : i32
        %cond3A_69 = arith.cmpi ne, %convert_element_type3A_67, %cond3A_68 : i32
        scf.if %cond3A_69 {
          %add3A_80 = arith.constant 2 : i32
          %add3A_81 = arith.addi %mul3A_50, %add3A_80 : i32
          %dma_start3A_82 = arith.constant 0 : i32
          %dma_start3A_83 = tpu.memref_slice %arg8[%add3A_81, %dma_start3A_82] : memref<40x128xi32, #tpu.memory_space<vmem>> -> memref<1x128xi32, #tpu.memory_space<vmem>>
          %dma_start3A_84 = tpu.memref_squeeze %dma_start3A_83 : memref<1x128xi32, #tpu.memory_space<vmem>> -> memref<128xi32, #tpu.memory_space<vmem>>
          %dma_start3A_85 = arith.constant 0 : i32
          %dma_start3A_86 = arith.constant 0 : i32
          %dma_start3A_87 = tpu.memref_slice %arg2[%dma_start3A_85, %dma_start3A_86] : memref<20000x128xf32, #tpu.memory_space<hbm>> -> memref<20000x128xf32, #tpu.memory_space<hbm>>
          tpu.enqueue_indirect_dma source(%dma_start3A_87 : memref<20000x128xf32, #tpu.memory_space<hbm>>) target(%arg10 : memref<128x128xf32, #tpu.memory_space<vmem>>) offsets(%dma_start3A_84 : memref<128xi32, #tpu.memory_space<vmem>>) semaphore(%arg12 : memref<!tpu.dma_semaphore, #tpu.memory_space<semaphore_mem>>)
        } else {
        }
        %add3A_70 = arith.constant 1 : i32
        %add3A_71 = arith.addi %mul3A_50, %add3A_70 : i32
        %dma_wait3A_72 = arith.constant 0 : i32
        %dma_wait3A_73 = tpu.memref_slice %arg8[%add3A_71, %dma_wait3A_72] : memref<40x128xi32, #tpu.memory_space<vmem>> -> memref<1x128xi32, #tpu.memory_space<vmem>>
        %dma_wait3A_74 = tpu.memref_squeeze %dma_wait3A_73 : memref<1x128xi32, #tpu.memory_space<vmem>> -> memref<128xi32, #tpu.memory_space<vmem>>
        %dma_wait3A_75 = arith.constant 0 : i32
        %dma_wait3A_76 = arith.constant 0 : i32
        %dma_wait3A_77 = tpu.memref_slice %arg2[%dma_wait3A_75, %dma_wait3A_76] : memref<20000x128xf32, #tpu.memory_space<hbm>> -> memref<20000x128xf32, #tpu.memory_space<hbm>>
        tpu.wait_indirect_dma semaphore(%arg13 : memref<!tpu.dma_semaphore, #tpu.memory_space<semaphore_mem>>) src(%dma_wait3A_77 : memref<20000x128xf32, #tpu.memory_space<hbm>>) dst(%arg11 : memref<128x128xf32, #tpu.memory_space<vmem>>)
        %add3A_78 = arith.constant 1 : i32
        %add3A_79 = arith.addi %mul3A_50, %add3A_78 : i32
        "tpu.region"() ({
          %run_scoped3A = tpu.sem_alloc : memref<!tpu.dma_semaphore, #tpu.memory_space<semaphore_mem>>
          %dma_start3A_80 = arith.constant 0 : i32
          %dma_start3A_81 = tpu.memref_slice %arg9[%add3A_79, %dma_start3A_80] : memref<40x128xi32, #tpu.memory_space<vmem>> -> memref<1x128xi32, #tpu.memory_space<vmem>>
          %dma_start3A_82 = tpu.memref_squeeze %dma_start3A_81 : memref<1x128xi32, #tpu.memory_space<vmem>> -> memref<128xi32, #tpu.memory_space<vmem>>
          %dma_start3A_83 = arith.constant 0 : i32
          %dma_start3A_84 = arith.constant 0 : i32
          %dma_start3A_85 = tpu.memref_slice %arg7[%dma_start3A_83, %dma_start3A_84] : memref<10240x128xf32, #tpu.memory_space<vmem_shared>> -> memref<10240x128xf32, #tpu.memory_space<vmem_shared>>
          tpu.enqueue_indirect_dma source(%arg11 : memref<128x128xf32, #tpu.memory_space<vmem>>) target(%dma_start3A_85 : memref<10240x128xf32, #tpu.memory_space<vmem_shared>>) offsets(%dma_start3A_82 : memref<128xi32, #tpu.memory_space<vmem>>) semaphore(%run_scoped3A : memref<!tpu.dma_semaphore, #tpu.memory_space<semaphore_mem>>) {add = true}
          %dma_wait3A_86 = arith.constant 0 : i32
          %dma_wait3A_87 = tpu.memref_slice %arg9[%add3A_79, %dma_wait3A_86] : memref<40x128xi32, #tpu.memory_space<vmem>> -> memref<1x128xi32, #tpu.memory_space<vmem>>
          %dma_wait3A_88 = tpu.memref_squeeze %dma_wait3A_87 : memref<1x128xi32, #tpu.memory_space<vmem>> -> memref<128xi32, #tpu.memory_space<vmem>>
          %dma_wait3A_89 = arith.constant 0 : i32
          %dma_wait3A_90 = arith.constant 0 : i32
          %dma_wait3A_91 = tpu.memref_slice %arg7[%dma_wait3A_89, %dma_wait3A_90] : memref<10240x128xf32, #tpu.memory_space<vmem_shared>> -> memref<10240x128xf32, #tpu.memory_space<vmem_shared>>
          tpu.wait_indirect_dma semaphore(%run_scoped3A : memref<!tpu.dma_semaphore, #tpu.memory_space<semaphore_mem>>) src(%arg11 : memref<128x128xf32, #tpu.memory_space<vmem>>) dst(%dma_wait3A_91 : memref<10240x128xf32, #tpu.memory_space<vmem_shared>>)
          tpu.yield
        }) : () -> ()
      }
      %scan3A_43 = arith.constant 20 : i32
    }
    %scan3A_5 = arith.constant 2 : i32
    %barrier3A = arith.constant 0 : index
    tpu.barrier barrier_id(%barrier3A)
    %mul3A_6 = arith.constant 10240 : i32
    %mul3A_7 = arith.muli %arg0, %mul3A_6 : i32
    %mul3A_8 = arith.constant 640 : i32
    %mul3A_9 = arith.muli %arg1, %mul3A_8 : i32
    %add3A = arith.addi %mul3A_7, %mul3A_9 : i32
    %mul3A_10 = arith.constant 640 : i32
    %mul3A_11 = arith.muli %arg1, %mul3A_10 : i32
    "tpu.region"() ({
      %run_scoped3A = tpu.sem_alloc : memref<!tpu.dma_semaphore, #tpu.memory_space<semaphore_mem>>
      %dma_start3A_12 = arith.constant 0 : i32
      %dma_start3A_13 = tpu.memref_slice %arg6[%add3A, %dma_start3A_12] : memref<20480x128xf32, #tpu.memory_space<hbm>> -> memref<640x128xf32, #tpu.memory_space<hbm>>
      %dma_start3A_14 = arith.constant 0 : i32
      %dma_start3A_15 = tpu.memref_slice %arg7[%mul3A_11, %dma_start3A_14] : memref<10240x128xf32, #tpu.memory_space<vmem_shared>> -> memref<640x128xf32, #tpu.memory_space<vmem_shared>>
      tpu.enqueue_dma source(%dma_start3A_15 : memref<640x128xf32, #tpu.memory_space<vmem_shared>>) target(%dma_start3A_13 : memref<640x128xf32, #tpu.memory_space<hbm>>) target_semaphore(%run_scoped3A : memref<!tpu.dma_semaphore, #tpu.memory_space<semaphore_mem>>)
      %dma_wait3A = arith.constant 0 : i32
      %dma_wait3A_16 = tpu.memref_slice %arg6[%add3A, %dma_wait3A] : memref<20480x128xf32, #tpu.memory_space<hbm>> -> memref<640x128xf32, #tpu.memory_space<hbm>>
      %dma_wait3A_17 = arith.constant 0 : i32
      %dma_wait3A_18 = tpu.memref_slice %arg7[%mul3A_11, %dma_wait3A_17] : memref<10240x128xf32, #tpu.memory_space<vmem_shared>> -> memref<640x128xf32, #tpu.memory_space<vmem_shared>>
      tpu.wait_dma2 semaphore(%run_scoped3A : memref<!tpu.dma_semaphore, #tpu.memory_space<semaphore_mem>>) src(%dma_wait3A_18 : memref<640x128xf32, #tpu.memory_space<vmem_shared>>) dst(%dma_wait3A_16 : memref<640x128xf32, #tpu.memory_space<hbm>>)
      tpu.yield
    }) : () -> ()
    return
  }
}

module attributes {stable_mosaic.version = 14 : i64} {
  func.func @_tc_layer_body(%arg0: i32, %arg1: memref<2000x128xf32, #tpu.memory_space<vmem>>, %arg2: memref<2x1000x128xf32, #tpu.memory_space<vmem>>, %arg3: memref<256x256xf32, #tpu.memory_space<vmem>>, %arg4: memref<1x256xf32, #tpu.memory_space<vmem>>, %arg5: memref<256x256xf32, #tpu.memory_space<vmem>>, %arg6: memref<1x256xf32, #tpu.memory_space<vmem>>, %arg7: memref<2000x128xf32, #tpu.memory_space<vmem>>, %arg8: memref<1x256xf32, #tpu.memory_space<vmem>>) attributes {dimension_semantics = [#tpu.dimension_semantics<arbitrary>], iteration_bounds = array<i64: 10>, scalar_prefetch = 0 : i64, scratch_operands = 0 : i64, tpu.core_type = #tpu.core_type<tc>, window_params = [{transform_indices = @transform_0, window_bounds = array<i64: 2000, 128>}, {transform_indices = @transform_1, window_bounds = array<i64: 2, 1000, 128>}, {pipeline_mode = #tpu.pipeline_mode<synchronous>, transform_indices = @transform_2, window_bounds = array<i64: 256, 256>}, {pipeline_mode = #tpu.pipeline_mode<synchronous>, transform_indices = @transform_3, window_bounds = array<i64: 1, 256>}, {pipeline_mode = #tpu.pipeline_mode<synchronous>, transform_indices = @transform_4, window_bounds = array<i64: 256, 256>}, {pipeline_mode = #tpu.pipeline_mode<synchronous>, transform_indices = @transform_5, window_bounds = array<i64: 1, 256>}, {transform_indices = @transform_6, window_bounds = array<i64: 2000, 128>}, {pipeline_mode = #tpu.pipeline_mode<synchronous>, transform_indices = @transform_7, window_bounds = array<i64: 1, 256>}]} {
    %get3A = arith.constant 0 : index
    %get3A_0 = arith.constant 0 : index
    %get3A_1 = vector.load %arg1[%get3A, %get3A_0] : memref<2000x128xf32, #tpu.memory_space<vmem>>, vector<2000x128xf32>
    %reshape3A = vector.shape_cast %get3A_1 : vector<2000x128xf32> to vector<1000x256xf32>
    %get3A_2 = arith.constant 0 : index
    %get3A_3 = arith.constant 0 : index
    %get3A_4 = arith.constant 0 : index
    %get3A_5 = vector.load %arg2[%get3A_2, %get3A_3, %get3A_4] : memref<2x1000x128xf32, #tpu.memory_space<vmem>>, vector<1x1000x128xf32>
    %get3A_6 = vector.shape_cast %get3A_5 : vector<1x1000x128xf32> to vector<1000x128xf32>
    %get3A_7 = arith.constant 1 : index
    %get3A_8 = arith.constant 0 : index
    %get3A_9 = arith.constant 0 : index
    %get3A_10 = vector.load %arg2[%get3A_7, %get3A_8, %get3A_9] : memref<2x1000x128xf32, #tpu.memory_space<vmem>>, vector<1x1000x128xf32>
    %get3A_11 = vector.shape_cast %get3A_10 : vector<1x1000x128xf32> to vector<1000x128xf32>
    %concatenate3A = tpu.concatenate %get3A_6, %get3A_11 in 1 : vector<1000x128xf32>, vector<1000x128xf32> -> vector<1000x256xf32>
    %add3A = arith.addf %reshape3A, %concatenate3A : vector<1000x256xf32>
    %get3A_12 = arith.constant 0 : index
    %get3A_13 = arith.constant 0 : index
    %get3A_14 = vector.load %arg3[%get3A_12, %get3A_13] : memref<256x256xf32, #tpu.memory_space<vmem>>, vector<256x256xf32>
    %dot_general3A = arith.constant dense<0.000000e+00> : vector<1000x256xf32>
    %dot_general3A_15 = tpu.matmul %add3A, %get3A_14, %dot_general3A {dimension_numbers = #tpu.dot_dimension_numbers<[1], [0], [0], [1], [0, 0, 1, 1], [], []>, transpose_lhs_hint = false} : vector<1000x256xf32>, vector<256x256xf32>, vector<1000x256xf32> -> vector<1000x256xf32>
    %get3A_16 = arith.constant 0 : index
    %get3A_17 = arith.constant 0 : index
    %get3A_18 = vector.load %arg4[%get3A_16, %get3A_17] : memref<1x256xf32, #tpu.memory_space<vmem>>, vector<1x256xf32>
    %add3A_19 = vector.broadcast %get3A_18 : vector<1x256xf32> to vector<1000x256xf32>
    %add3A_20 = arith.addf %dot_general3A_15, %add3A_19 : vector<1000x256xf32>
    %max3A = arith.constant 0.000000e+00 : f32
    %max3A_21 = vector.broadcast %max3A : f32 to vector<1000x256xf32>
    %max3A_22 = arith.maximumf %add3A_20, %max3A_21 : vector<1000x256xf32>
    %get3A_23 = arith.constant 0 : index
    %get3A_24 = arith.constant 0 : index
    %get3A_25 = vector.load %arg5[%get3A_23, %get3A_24] : memref<256x256xf32, #tpu.memory_space<vmem>>, vector<256x256xf32>
    %dot_general3A_26 = arith.constant dense<0.000000e+00> : vector<1000x256xf32>
    %dot_general3A_27 = tpu.matmul %max3A_22, %get3A_25, %dot_general3A_26 {dimension_numbers = #tpu.dot_dimension_numbers<[1], [0], [0], [1], [0, 0, 1, 1], [], []>, transpose_lhs_hint = false} : vector<1000x256xf32>, vector<256x256xf32>, vector<1000x256xf32> -> vector<1000x256xf32>
    %get3A_28 = arith.constant 0 : index
    %get3A_29 = arith.constant 0 : index
    %get3A_30 = vector.load %arg6[%get3A_28, %get3A_29] : memref<1x256xf32, #tpu.memory_space<vmem>>, vector<1x256xf32>
    %add3A_31 = vector.broadcast %get3A_30 : vector<1x256xf32> to vector<1000x256xf32>
    %add3A_32 = arith.addf %dot_general3A_27, %add3A_31 : vector<1000x256xf32>
    %max3A_33 = arith.constant 0.000000e+00 : f32
    %max3A_34 = vector.broadcast %max3A_33 : f32 to vector<1000x256xf32>
    %max3A_35 = arith.maximumf %add3A_32, %max3A_34 : vector<1000x256xf32>
    %reshape3A_36 = vector.shape_cast %max3A_35 : vector<1000x256xf32> to vector<2000x128xf32>
    %swap3A = arith.constant 0 : index
    %swap3A_37 = arith.constant 0 : index
    %swap3A_38 = vector.load %arg7[%swap3A, %swap3A_37] : memref<2000x128xf32, #tpu.memory_space<vmem>>, vector<2000x128xf32>
    tpu.vector_store %arg7[%swap3A, %swap3A_37], %reshape3A_36 {strides = array<i32>} : memref<2000x128xf32, #tpu.memory_space<vmem>>, vector<2000x128xf32>,
    %eq3A = arith.constant 0 : i32
    %eq3A_39 = arith.cmpi eq, %arg0, %eq3A : i32
    %convert_element_type3A = arith.extui %eq3A_39 : i1 to i32
    %cond3A = arith.constant 0 : i32
    %cond3A_40 = arith.cmpi ne, %convert_element_type3A, %cond3A : i32
    scf.if %cond3A_40 {
      %broadcast_in_dim3A_49 = arith.constant 0.000000e+00 : f32
      %broadcast_in_dim3A_50 = vector.broadcast %broadcast_in_dim3A_49 : f32 to vector<1x256xf32>
      %swap3A_51 = arith.constant 0 : index
      %swap3A_52 = arith.constant 0 : index
      %swap3A_53 = vector.load %arg8[%swap3A_51, %swap3A_52] : memref<1x256xf32, #tpu.memory_space<vmem>>, vector<1x256xf32>
      tpu.vector_store %arg8[%swap3A_51, %swap3A_52], %broadcast_in_dim3A_50 {strides = array<i32>} : memref<1x256xf32, #tpu.memory_space<vmem>>, vector<1x256xf32>,
    } else {
    }
    %get3A_41 = arith.constant 0 : index
    %get3A_42 = arith.constant 0 : index
    %get3A_43 = vector.load %arg8[%get3A_41, %get3A_42] : memref<1x256xf32, #tpu.memory_space<vmem>>, vector<1x256xf32>
    %reduce_sum3A = arith.constant dense<0.000000e+00> : vector<256xf32>
    %reduce_sum3A_44 = vector.multi_reduction <add>, %max3A_35, %reduce_sum3A [0] : vector<1000x256xf32> to vector<256xf32>
    %broadcast_in_dim3A = vector.shape_cast %reduce_sum3A_44 : vector<256xf32> to vector<1x256xf32>
    %add3A_45 = arith.addf %get3A_43, %broadcast_in_dim3A : vector<1x256xf32>
    %swap3A_46 = arith.constant 0 : index
    %swap3A_47 = arith.constant 0 : index
    %swap3A_48 = vector.load %arg8[%swap3A_46, %swap3A_47] : memref<1x256xf32, #tpu.memory_space<vmem>>, vector<1x256xf32>
    tpu.vector_store %arg8[%swap3A_46, %swap3A_47], %add3A_45 {strides = array<i32>} : memref<1x256xf32, #tpu.memory_space<vmem>>, vector<1x256xf32>,
    return
  }
  func.func @transform_0(%arg0: i32) -> (i32, i32) {
    %c0_i32 = arith.constant 0 : i32
    %c0_i32_0 = arith.constant 0 : i32
    return %arg0, %c0_i32 : i32, i32
  }
  func.func @transform_1(%arg0: i32) -> (i32, i32, i32) {
    %c0_i32 = arith.constant 0 : i32
    %c0_i32_0 = arith.constant 0 : i32
    %c0_i32_1 = arith.constant 0 : i32
    return %c0_i32, %arg0, %c0_i32_0 : i32, i32, i32
  }
  func.func @transform_2(%arg0: i32) -> (i32, i32) {
    %c0_i32 = arith.constant 0 : i32
    %c0_i32_0 = arith.constant 0 : i32
    %c0_i32_1 = arith.constant 0 : i32
    return %c0_i32, %c0_i32_0 : i32, i32
  }
  func.func @transform_3(%arg0: i32) -> (i32, i32) {
    %c0_i32 = arith.constant 0 : i32
    %c0_i32_0 = arith.constant 0 : i32
    %c0_i32_1 = arith.constant 0 : i32
    return %c0_i32, %c0_i32_0 : i32, i32
  }
  func.func @transform_4(%arg0: i32) -> (i32, i32) {
    %c0_i32 = arith.constant 0 : i32
    %c0_i32_0 = arith.constant 0 : i32
    %c0_i32_1 = arith.constant 0 : i32
    return %c0_i32, %c0_i32_0 : i32, i32
  }
  func.func @transform_5(%arg0: i32) -> (i32, i32) {
    %c0_i32 = arith.constant 0 : i32
    %c0_i32_0 = arith.constant 0 : i32
    %c0_i32_1 = arith.constant 0 : i32
    return %c0_i32, %c0_i32_0 : i32, i32
  }
  func.func @transform_6(%arg0: i32) -> (i32, i32) {
    %c0_i32 = arith.constant 0 : i32
    %c0_i32_0 = arith.constant 0 : i32
    return %arg0, %c0_i32 : i32, i32
  }
  func.func @transform_7(%arg0: i32) -> (i32, i32) {
    %c0_i32 = arith.constant 0 : i32
    %c0_i32_0 = arith.constant 0 : i32
    %c0_i32_1 = arith.constant 0 : i32
    return %c0_i32, %c0_i32_0 : i32, i32
  }
}

module attributes {stable_mosaic.version = 14 : i64} {
  func.func @_tc_layer3_body(%arg0: i32, %arg1: memref<2000x128xf32, #tpu.memory_space<vmem>>, %arg2: memref<2x1000x128xf32, #tpu.memory_space<vmem>>, %arg3: memref<256x256xf32, #tpu.memory_space<vmem>>, %arg4: memref<1x256xf32, #tpu.memory_space<vmem>>, %arg5: memref<256x256xf32, #tpu.memory_space<vmem>>, %arg6: memref<1x256xf32, #tpu.memory_space<vmem>>, %arg7: memref<1x256xf32, #tpu.memory_space<vmem>>, %arg8: memref<1x256xf32, #tpu.memory_space<vmem>>, %arg9: memref<768x768xf32, #tpu.memory_space<vmem>>, %arg10: memref<1x768xf32, #tpu.memory_space<vmem>>, %arg11: memref<768x128xf32, #tpu.memory_space<vmem>>, %arg12: memref<1x128xf32, #tpu.memory_space<vmem>>, %arg13: memref<1x256xf32, #tpu.memory_space<vmem>>, %arg14: memref<1x128xf32, #tpu.memory_space<vmem>>) attributes {dimension_semantics = [#tpu.dimension_semantics<arbitrary>], iteration_bounds = array<i64: 10>, scalar_prefetch = 0 : i64, scratch_operands = 0 : i64, tpu.core_type = #tpu.core_type<tc>, window_params = [{transform_indices = @transform_0, window_bounds = array<i64: 2000, 128>}, {transform_indices = @transform_1, window_bounds = array<i64: 2, 1000, 128>}, {pipeline_mode = #tpu.pipeline_mode<synchronous>, transform_indices = @transform_2, window_bounds = array<i64: 256, 256>}, {pipeline_mode = #tpu.pipeline_mode<synchronous>, transform_indices = @transform_3, window_bounds = array<i64: 1, 256>}, {pipeline_mode = #tpu.pipeline_mode<synchronous>, transform_indices = @transform_4, window_bounds = array<i64: 256, 256>}, {pipeline_mode = #tpu.pipeline_mode<synchronous>, transform_indices = @transform_5, window_bounds = array<i64: 1, 256>}, {pipeline_mode = #tpu.pipeline_mode<synchronous>, transform_indices = @transform_6, window_bounds = array<i64: 1, 256>}, {pipeline_mode = #tpu.pipeline_mode<synchronous>, transform_indices = @transform_7, window_bounds = array<i64: 1, 256>}, {pipeline_mode = #tpu.pipeline_mode<synchronous>, transform_indices = @transform_8, window_bounds = array<i64: 768, 768>}, {pipeline_mode = #tpu.pipeline_mode<synchronous>, transform_indices = @transform_9, window_bounds = array<i64: 1, 768>}, {pipeline_mode = #tpu.pipeline_mode<synchronous>, transform_indices = @transform_10, window_bounds = array<i64: 768, 128>}, {pipeline_mode = #tpu.pipeline_mode<synchronous>, transform_indices = @transform_11, window_bounds = array<i64: 1, 128>}, {pipeline_mode = #tpu.pipeline_mode<synchronous>, transform_indices = @transform_12, window_bounds = array<i64: 1, 256>}, {pipeline_mode = #tpu.pipeline_mode<synchronous>, transform_indices = @transform_13, window_bounds = array<i64: 1, 128>}]} {
    %get3A = arith.constant 0 : index
    %get3A_0 = arith.constant 0 : index
    %get3A_1 = vector.load %arg1[%get3A, %get3A_0] : memref<2000x128xf32, #tpu.memory_space<vmem>>, vector<2000x128xf32>
    %reshape3A = vector.shape_cast %get3A_1 : vector<2000x128xf32> to vector<1000x256xf32>
    %get3A_2 = arith.constant 0 : index
    %get3A_3 = arith.constant 0 : index
    %get3A_4 = arith.constant 0 : index
    %get3A_5 = vector.load %arg2[%get3A_2, %get3A_3, %get3A_4] : memref<2x1000x128xf32, #tpu.memory_space<vmem>>, vector<1x1000x128xf32>
    %get3A_6 = vector.shape_cast %get3A_5 : vector<1x1000x128xf32> to vector<1000x128xf32>
    %get3A_7 = arith.constant 1 : index
    %get3A_8 = arith.constant 0 : index
    %get3A_9 = arith.constant 0 : index
    %get3A_10 = vector.load %arg2[%get3A_7, %get3A_8, %get3A_9] : memref<2x1000x128xf32, #tpu.memory_space<vmem>>, vector<1x1000x128xf32>
    %get3A_11 = vector.shape_cast %get3A_10 : vector<1x1000x128xf32> to vector<1000x128xf32>
    %concatenate3A = tpu.concatenate %get3A_6, %get3A_11 in 1 : vector<1000x128xf32>, vector<1000x128xf32> -> vector<1000x256xf32>
    %add3A = arith.addf %reshape3A, %concatenate3A : vector<1000x256xf32>
    %get3A_12 = arith.constant 0 : index
    %get3A_13 = arith.constant 0 : index
    %get3A_14 = vector.load %arg3[%get3A_12, %get3A_13] : memref<256x256xf32, #tpu.memory_space<vmem>>, vector<256x256xf32>
    %dot_general3A = arith.constant dense<0.000000e+00> : vector<1000x256xf32>
    %dot_general3A_15 = tpu.matmul %add3A, %get3A_14, %dot_general3A {dimension_numbers = #tpu.dot_dimension_numbers<[1], [0], [0], [1], [0, 0, 1, 1], [], []>, transpose_lhs_hint = false} : vector<1000x256xf32>, vector<256x256xf32>, vector<1000x256xf32> -> vector<1000x256xf32>
    %get3A_16 = arith.constant 0 : index
    %get3A_17 = arith.constant 0 : index
    %get3A_18 = vector.load %arg4[%get3A_16, %get3A_17] : memref<1x256xf32, #tpu.memory_space<vmem>>, vector<1x256xf32>
    %add3A_19 = vector.broadcast %get3A_18 : vector<1x256xf32> to vector<1000x256xf32>
    %add3A_20 = arith.addf %dot_general3A_15, %add3A_19 : vector<1000x256xf32>
    %max3A = arith.constant 0.000000e+00 : f32
    %max3A_21 = vector.broadcast %max3A : f32 to vector<1000x256xf32>
    %max3A_22 = arith.maximumf %add3A_20, %max3A_21 : vector<1000x256xf32>
    %get3A_23 = arith.constant 0 : index
    %get3A_24 = arith.constant 0 : index
    %get3A_25 = vector.load %arg5[%get3A_23, %get3A_24] : memref<256x256xf32, #tpu.memory_space<vmem>>, vector<256x256xf32>
    %dot_general3A_26 = arith.constant dense<0.000000e+00> : vector<1000x256xf32>
    %dot_general3A_27 = tpu.matmul %max3A_22, %get3A_25, %dot_general3A_26 {dimension_numbers = #tpu.dot_dimension_numbers<[1], [0], [0], [1], [0, 0, 1, 1], [], []>, transpose_lhs_hint = false} : vector<1000x256xf32>, vector<256x256xf32>, vector<1000x256xf32> -> vector<1000x256xf32>
    %get3A_28 = arith.constant 0 : index
    %get3A_29 = arith.constant 0 : index
    %get3A_30 = vector.load %arg6[%get3A_28, %get3A_29] : memref<1x256xf32, #tpu.memory_space<vmem>>, vector<1x256xf32>
    %add3A_31 = vector.broadcast %get3A_30 : vector<1x256xf32> to vector<1000x256xf32>
    %add3A_32 = arith.addf %dot_general3A_27, %add3A_31 : vector<1000x256xf32>
    %max3A_33 = arith.constant 0.000000e+00 : f32
    %max3A_34 = vector.broadcast %max3A_33 : f32 to vector<1000x256xf32>
    %max3A_35 = arith.maximumf %add3A_32, %max3A_34 : vector<1000x256xf32>
    %eq3A = arith.constant 0 : i32
    %eq3A_36 = arith.cmpi eq, %arg0, %eq3A : i32
    %convert_element_type3A = arith.extui %eq3A_36 : i1 to i32
    %cond3A = arith.constant 0 : i32
    %cond3A_37 = arith.cmpi ne, %convert_element_type3A, %cond3A : i32
    scf.if %cond3A_37 {
      %broadcast_in_dim3A_50 = arith.constant 0.000000e+00 : f32
      %broadcast_in_dim3A_51 = vector.broadcast %broadcast_in_dim3A_50 : f32 to vector<1x256xf32>
      %swap3A_52 = arith.constant 0 : index
      %swap3A_53 = arith.constant 0 : index
      %swap3A_54 = vector.load %arg13[%swap3A_52, %swap3A_53] : memref<1x256xf32, #tpu.memory_space<vmem>>, vector<1x256xf32>
      tpu.vector_store %arg13[%swap3A_52, %swap3A_53], %broadcast_in_dim3A_51 {strides = array<i32>} : memref<1x256xf32, #tpu.memory_space<vmem>>, vector<1x256xf32>,
    } else {
    }
    %get3A_38 = arith.constant 0 : index
    %get3A_39 = arith.constant 0 : index
    %get3A_40 = vector.load %arg13[%get3A_38, %get3A_39] : memref<1x256xf32, #tpu.memory_space<vmem>>, vector<1x256xf32>
    %reduce_sum3A = arith.constant dense<0.000000e+00> : vector<256xf32>
    %reduce_sum3A_41 = vector.multi_reduction <add>, %max3A_35, %reduce_sum3A [0] : vector<1000x256xf32> to vector<256xf32>
    %broadcast_in_dim3A = vector.shape_cast %reduce_sum3A_41 : vector<256xf32> to vector<1x256xf32>
    %add3A_42 = arith.addf %get3A_40, %broadcast_in_dim3A : vector<1x256xf32>
    %swap3A = arith.constant 0 : index
    %swap3A_43 = arith.constant 0 : index
    %swap3A_44 = vector.load %arg13[%swap3A, %swap3A_43] : memref<1x256xf32, #tpu.memory_space<vmem>>, vector<1x256xf32>
    tpu.vector_store %arg13[%swap3A, %swap3A_43], %add3A_42 {strides = array<i32>} : memref<1x256xf32, #tpu.memory_space<vmem>>, vector<1x256xf32>,
    %eq3A_45 = arith.constant 9 : i32
    %eq3A_46 = arith.cmpi eq, %arg0, %eq3A_45 : i32
    %convert_element_type3A_47 = arith.extui %eq3A_46 : i1 to i32
    %cond3A_48 = arith.constant 0 : i32
    %cond3A_49 = arith.cmpi ne, %convert_element_type3A_47, %cond3A_48 : i32
    scf.if %cond3A_49 {
      %get3A_50 = arith.constant 0 : index
      %get3A_51 = arith.constant 0 : index
      %get3A_52 = vector.load %arg7[%get3A_50, %get3A_51] : memref<1x256xf32, #tpu.memory_space<vmem>>, vector<1x256xf32>
      %get3A_53 = arith.constant 0 : index
      %get3A_54 = arith.constant 0 : index
      %get3A_55 = vector.load %arg8[%get3A_53, %get3A_54] : memref<1x256xf32, #tpu.memory_space<vmem>>, vector<1x256xf32>
      %get3A_56 = arith.constant 0 : index
      %get3A_57 = arith.constant 0 : index
      %get3A_58 = vector.load %arg13[%get3A_56, %get3A_57] : memref<1x256xf32, #tpu.memory_space<vmem>>, vector<1x256xf32>
      %concatenate3A_59 = tpu.concatenate %get3A_52, %get3A_55, %get3A_58 in 1 : vector<1x256xf32>, vector<1x256xf32>, vector<1x256xf32> -> vector<1x768xf32>
      %get3A_60 = arith.constant 0 : index
      %get3A_61 = arith.constant 0 : index
      %get3A_62 = vector.load %arg9[%get3A_60, %get3A_61] : memref<768x768xf32, #tpu.memory_space<vmem>>, vector<768x768xf32>
      %dot_general3A_63 = arith.constant dense<0.000000e+00> : vector<1x768xf32>
      %dot_general3A_64 = tpu.matmul %concatenate3A_59, %get3A_62, %dot_general3A_63 {dimension_numbers = #tpu.dot_dimension_numbers<[1], [0], [0], [1], [0, 0, 1, 1], [], []>, transpose_lhs_hint = false} : vector<1x768xf32>, vector<768x768xf32>, vector<1x768xf32> -> vector<1x768xf32>
      %get3A_65 = arith.constant 0 : index
      %get3A_66 = arith.constant 0 : index
      %get3A_67 = vector.load %arg10[%get3A_65, %get3A_66] : memref<1x768xf32, #tpu.memory_space<vmem>>, vector<1x768xf32>
      %add3A_68 = arith.addf %dot_general3A_64, %get3A_67 : vector<1x768xf32>
      %max3A_69 = arith.constant 0.000000e+00 : f32
      %max3A_70 = vector.broadcast %max3A_69 : f32 to vector<1x768xf32>
      %max3A_71 = arith.maximumf %add3A_68, %max3A_70 : vector<1x768xf32>
      %get3A_72 = arith.constant 0 : index
      %get3A_73 = arith.constant 0 : index
      %get3A_74 = vector.load %arg11[%get3A_72, %get3A_73] : memref<768x128xf32, #tpu.memory_space<vmem>>, vector<768x128xf32>
      %dot_general3A_75 = arith.constant dense<0.000000e+00> : vector<1x128xf32>
      %dot_general3A_76 = tpu.matmul %max3A_71, %get3A_74, %dot_general3A_75 {dimension_numbers = #tpu.dot_dimension_numbers<[1], [0], [0], [1], [0, 0, 1, 1], [], []>, transpose_lhs_hint = false} : vector<1x768xf32>, vector<768x128xf32>, vector<1x128xf32> -> vector<1x128xf32>
      %get3A_77 = arith.constant 0 : index
      %get3A_78 = arith.constant 0 : index
      %get3A_79 = vector.load %arg12[%get3A_77, %get3A_78] : memref<1x128xf32, #tpu.memory_space<vmem>>, vector<1x128xf32>
      %add3A_80 = arith.addf %dot_general3A_76, %get3A_79 : vector<1x128xf32>
      %swap3A_81 = arith.constant 0 : index
      %swap3A_82 = arith.constant 0 : index
      %swap3A_83 = vector.load %arg14[%swap3A_81, %swap3A_82] : memref<1x128xf32, #tpu.memory_space<vmem>>, vector<1x128xf32>
      tpu.vector_store %arg14[%swap3A_81, %swap3A_82], %add3A_80 {strides = array<i32>} : memref<1x128xf32, #tpu.memory_space<vmem>>, vector<1x128xf32>,
    } else {
    }
    return
  }
  func.func @transform_0(%arg0: i32) -> (i32, i32) {
    %c0_i32 = arith.constant 0 : i32
    %c0_i32_0 = arith.constant 0 : i32
    return %arg0, %c0_i32 : i32, i32
  }
  func.func @transform_1(%arg0: i32) -> (i32, i32, i32) {
    %c0_i32 = arith.constant 0 : i32
    %c0_i32_0 = arith.constant 0 : i32
    %c0_i32_1 = arith.constant 0 : i32
    return %c0_i32, %arg0, %c0_i32_0 : i32, i32, i32
  }
  func.func @transform_2(%arg0: i32) -> (i32, i32) {
    %c0_i32 = arith.constant 0 : i32
    %c0_i32_0 = arith.constant 0 : i32
    %c0_i32_1 = arith.constant 0 : i32
    return %c0_i32, %c0_i32_0 : i32, i32
  }
  func.func @transform_3(%arg0: i32) -> (i32, i32) {
    %c0_i32 = arith.constant 0 : i32
    %c0_i32_0 = arith.constant 0 : i32
    %c0_i32_1 = arith.constant 0 : i32
    return %c0_i32, %c0_i32_0 : i32, i32
  }
  func.func @transform_4(%arg0: i32) -> (i32, i32) {
    %c0_i32 = arith.constant 0 : i32
    %c0_i32_0 = arith.constant 0 : i32
    %c0_i32_1 = arith.constant 0 : i32
    return %c0_i32, %c0_i32_0 : i32, i32
  }
  func.func @transform_5(%arg0: i32) -> (i32, i32) {
    %c0_i32 = arith.constant 0 : i32
    %c0_i32_0 = arith.constant 0 : i32
    %c0_i32_1 = arith.constant 0 : i32
    return %c0_i32, %c0_i32_0 : i32, i32
  }
  func.func @transform_6(%arg0: i32) -> (i32, i32) {
    %c0_i32 = arith.constant 0 : i32
    %c0_i32_0 = arith.constant 0 : i32
    %c0_i32_1 = arith.constant 0 : i32
    return %c0_i32, %c0_i32_0 : i32, i32
  }
  func.func @transform_7(%arg0: i32) -> (i32, i32) {
    %c0_i32 = arith.constant 0 : i32
    %c0_i32_0 = arith.constant 0 : i32
    %c0_i32_1 = arith.constant 0 : i32
    return %c0_i32, %c0_i32_0 : i32, i32
  }
  func.func @transform_8(%arg0: i32) -> (i32, i32) {
    %c0_i32 = arith.constant 0 : i32
    %c0_i32_0 = arith.constant 0 : i32
    %c0_i32_1 = arith.constant 0 : i32
    return %c0_i32, %c0_i32_0 : i32, i32
  }
  func.func @transform_9(%arg0: i32) -> (i32, i32) {
    %c0_i32 = arith.constant 0 : i32
    %c0_i32_0 = arith.constant 0 : i32
    %c0_i32_1 = arith.constant 0 : i32
    return %c0_i32, %c0_i32_0 : i32, i32
  }
  func.func @transform_10(%arg0: i32) -> (i32, i32) {
    %c0_i32 = arith.constant 0 : i32
    %c0_i32_0 = arith.constant 0 : i32
    %c0_i32_1 = arith.constant 0 : i32
    return %c0_i32, %c0_i32_0 : i32, i32
  }
  func.func @transform_11(%arg0: i32) -> (i32, i32) {
    %c0_i32 = arith.constant 0 : i32
    %c0_i32_0 = arith.constant 0 : i32
    %c0_i32_1 = arith.constant 0 : i32
    return %c0_i32, %c0_i32_0 : i32, i32
  }
  func.func @transform_12(%arg0: i32) -> (i32, i32) {
    %c0_i32 = arith.constant 0 : i32
    %c0_i32_0 = arith.constant 0 : i32
    %c0_i32_1 = arith.constant 0 : i32
    return %c0_i32, %c0_i32_0 : i32, i32
  }
  func.func @transform_13(%arg0: i32) -> (i32, i32) {
    %c0_i32 = arith.constant 0 : i32
    %c0_i32_0 = arith.constant 0 : i32
    %c0_i32_1 = arith.constant 0 : i32
    return %c0_i32, %c0_i32_0 : i32, i32
  }
}

</mosaic_0001>

<sc_bundles>
// kernel: kernel.11.cloned.1.call-start
scs
__scs_entry_jumppad:
0x0: {  	(pc) =	sbr.rel $0x88, $3  }
0x1: {  	(tag) =	ssettag $0x0;
	lr =	simm.s32 $0x1  }
0x2: {  	[smem:$0x3F8F] =	sst lr;
	_ =	strace $0xD0000000  }
0x3: {  	_ = 	snop  }
0x4: {  	_ = 	snop  }
0x5: {  	_ = 	snop  }
0x6: {  	_ = 	snop  }
0x7: {  	_ = 	snop  }
__scs_overlays_trampoline_lowered:
0x8: {  	[smem:$0x3F9E] =	sst s0  }
0x9: {  	[smem:$0x3F9F] =	sst s1  }
0xa: {  	[smem:$0x3FA0] =	sst s2  }
0xb: {  	[smem:$0x3FA1] =	sst s3  }
0xc: {  	[smem:$0x3FA2] =	sst s4  }
0xd: {  	[smem:$0x3FA3] =	sst s5  }
0xe: {  	[smem:$0x3FA4] =	sst s6  }
0xf: {  	[smem:$0x3FA5] =	sst s7  }
0x10: {  	[smem:$0x3FA6] =	sst s8  }
0x11: {  	[smem:$0x3FA7] =	sst s9;
	s0 =	simm.s32 @!p0 $0x0  }
0x12: {  	s1 =	sld [smem:$0x3F8D];
	s0 =	simm.s32 @p0 $0x1  }
0x13: {  	[smem:$0x3FA8] =	sst s0;
	s0 =	simm.s32 @!p1 $0x0  }
0x14: {  	s2 =	sld [smem:$0x3F8C];
	s0 =	simm.s32 @p1 $0x1  }
0x15: {  	[smem:$0x3FA9] =	sst s0;
	s0 =	simm.s32 @!p2 $0x0  }
0x16: {  	s3 =	sld [smem:$0x3FDB];
	s0 =	simm.s32 @p2 $0x1  }
0x17: {  	s4 =	simm.s32 $0x1BF5;
	[smem:$0x3FAB] =	sst s0  }
0x18: {  	s0 =	sld [smem:$0x3F8E];
	_ =	swait.ge [sflag:s4], $0x0  }
0x19: {  	s7 =	sld [smem:$0x3F8F]  }
0x1a: {  	s8 =	sadd.s32 $0xFFFFE003, lr  }
0x1b: {  	s9 =	sadd.s32 $0xFFFFFEF7, lr;
	s5 =	simm.s32 $0xFFFFFFFF;
	p2 =	slt.u32 s8, $0xFFFFF086  }
0x1c: {  	p1 =	slt.u32 s9, $0xF7A;
	s5 =	simm.s32 @!p2 $0x0  }
0x1d: {  	s5 =	simm.s32 @p1 $0x1;
	p0 =	seq.s32 s7, s2  }
0x1e: {  	s7 =	smul.u32 @!p0 $0xF7A, s2;
	p2 =	seq.s32 @!p0 s5, $0x0  }
0x1f: {  	s9 =	smul.u32 $0xF7A, s1;
	s8 =	simm.s32 @!p0 $0x1BF5;
	p2 =	por !p2, p0  }
0x20: {  	[sflag:s8] =	ssyncset.s32 @!p0 $0xFFFFF086;
	s6 =	sadd.s32 @!p0 s3, s7;
	s7 =	simm.s32 @!p0 $0x108  }
0x21: {  	s3 =	sadd.s32 s3, s9;
	s6 =	sadd.s32 @!p0 $0x88, s6;
	s7 =	simm.s32 @p2 $0x1082  }
0x22: {  	[simem:s7], [sflag:s8] =	dma.local @!p0 [hbm:s6], $0xF7A  }
0x23: {  	s9 =	sor.u32 $0xD0000000, s2;
	s6 =	simm.s32 $0x108;
	_ =	swait.ge @!p0 [sflag:s8], $0x0  }
0x24: {  	s3 =	sadd.s32 $0x88, s3;
	s6 =	simm.s32 @!p1 $0x1082;
	[sflag:s4] =	ssyncset.s32 $0xFFFFF086  }
0x25: {  	[simem:s6], [sflag:s4] =	dma.local [hbm:s3], $0xF7A  }
0x26: {  	[smem:$0x3F8F] =	sst s1;
	(tag) =	ssettag s2;
	_ =	strace s9  }
0x27: {  	s1 =	sld [smem:$0x3F9F]  }
0x28: {  	s2 =	sld [smem:$0x3FA0]  }
0x29: {  	s4 =	sld [smem:$0x3FA2]  }
0x2a: {  	p0 =	seq.s32 s5, $0x0;
	s5 =	sld [smem:$0x3FA3]  }
0x2b: {  	s6 =	sld [smem:$0x3FA4]  }
0x2c: {  	s7 =	sld [smem:$0x3FA5]  }
0x2d: {  	s3 =	simm.s32 $0x108;
	s8 =	sld [smem:$0x3FA6]  }
0x2e: {  	s3 =	simm.s32 @!p0 $0x1082;
	s9 =	sld [smem:$0x3FA7]  }
0x2f: {  	lr =	sadd.s32 s0, s3;
	s0 =	sld [smem:$0x3F9E]  }
0x30: {  	s3 =	sld [smem:$0x3FA1]  }
0x31: {  	[smem:$0x3FAA] =	sst s10  }
0x32: {  	s10 =	sld [smem:$0x3FA8];
	_ =	sdelay $0x3  }
0x33: {  	p0 =	seq.s32 s10, $0x1;
	s10 =	sld [smem:$0x3FAA];
	_ =	sdelay $0x3  }
0x34: {  	[smem:$0x3FAA] =	sst s10  }
0x35: {  	s10 =	sld [smem:$0x3FA9];
	_ =	sdelay $0x3  }
0x36: {  	p1 =	seq.s32 s10, $0x1;
	s10 =	sld [smem:$0x3FAA];
	_ =	sdelay $0x3  }
0x37: {  	[smem:$0x3FAA] =	sst s10  }
0x38: {  	s10 =	sld [smem:$0x3FAB]  }
0x39: {  	_ = 	snop;
	(pc) =	sbr.ind lr, $3  }
0x3a: {  	_ = 	snop  }
0x3b: {  	_ = 	snop  }
0x3c: {  	p2 =	seq.s32 s10, $0x1;
	s10 =	sld [smem:$0x3FAA]  }
0x3d: {  	_ =	shalt  }
0x3e: {  	_ =	shalt  }
0x3f: {  	_ =	shalt  }
0x40: {  	_ =	shalt  }
0x41: {  	_ =	shalt  }
0x42: {  	_ =	shalt  }
0x43: {  	_ =	shalt  }
0x44: {  	_ =	shalt  }
0x45: {  	_ =	shalt  }
0x46: {  	_ =	shalt  }
0x47: {  	_ =	shalt  }
0x48: {  	_ =	shalt  }
0x49: {  	_ =	shalt  }
0x4a: {  	_ =	shalt  }
0x4b: {  	_ =	shalt  }
0x4c: {  	_ =	shalt  }
0x4d: {  	_ =	shalt  }
0x4e: {  	_ =	shalt  }
0x4f: {  	_ =	shalt  }
0x50: {  	_ =	shalt  }
0x51: {  	_ =	shalt  }
0x52: {  	_ =	shalt  }
0x53: {  	_ =	shalt  }
0x54: {  	_ =	shalt  }
0x55: {  	_ =	shalt  }
0x56: {  	_ =	shalt  }
0x57: {  	_ =	shalt  }
0x58: {  	_ =	shalt  }
0x59: {  	_ =	shalt  }
0x5a: {  	_ =	shalt  }
0x5b: {  	_ =	shalt  }
0x5c: {  	_ =	shalt  }
0x5d: {  	_ =	shalt  }
0x5e: {  	_ =	shalt  }
0x5f: {  	_ =	shalt  }
0x60: {  	_ =	shalt  }
0x61: {  	_ =	shalt  }
0x62: {  	_ =	shalt  }
0x63: {  	_ =	shalt  }
0x64: {  	_ =	shalt  }
0x65: {  	_ =	shalt  }
0x66: {  	_ =	shalt  }
0x67: {  	_ =	shalt  }
0x68: {  	_ =	shalt  }
0x69: {  	_ =	shalt  }
0x6a: {  	_ =	shalt  }
0x6b: {  	_ =	shalt  }
0x6c: {  	_ =	shalt  }
0x6d: {  	_ =	shalt  }
0x6e: {  	_ =	shalt  }
0x6f: {  	_ =	shalt  }
0x70: {  	_ =	shalt  }
0x71: {  	_ =	shalt  }
0x72: {  	_ =	shalt  }
0x73: {  	_ =	shalt  }
0x74: {  	_ =	shalt  }
0x75: {  	_ =	shalt  }
0x76: {  	_ =	shalt  }
0x77: {  	_ =	shalt  }
0x78: {  	_ =	shalt  }
0x79: {  	_ =	shalt  }
0x7a: {  	_ =	shalt  }
0x7b: {  	_ =	shalt  }
0x7c: {  	_ =	shalt  }
0x7d: {  	_ =	shalt  }
0x7e: {  	_ =	shalt  }
0x7f: {  	_ =	shalt  }
0x80: {  	_ =	shalt  }
0x81: {  	_ =	shalt  }
0x82: {  	_ =	shalt  }
0x83: {  	_ =	shalt  }
0x84: {  	_ =	shalt  }
0x85: {  	_ =	shalt  }
0x86: {  	_ =	shalt  }
0x87: {  	_ =	shalt  }
.Lfunc_end0:
.L_simem_size_0:
called_computation.1_lowered:
.L_overlay_start_0:
0x88: {  	s2 =	sld [smem:$0x3FD9]  }
0x89: {  	s3 =	sld [smem:$0x3FFE];
	_ =	sdelay $0x1  }
0x8a: {  	s1 =	srdreg.scid  }
0x8b: {  	s0 =	sand.u32 $0x1, s1  }
0x8c: {  	s16 =	sshll.u32 s0, $0xA;
	s2 =	sadd.s32 s3, s2  }
0x8d: {  	s2 =	sadd.s32 s2, s16  }
0x8e: {  	[smem:$0x3FB6] =	sst s2  }
0x8f: {  	_ = 	snop  }
0x90: {  	(tm) =	ssettm $0x1  }
0x91: {  	s17 =	sld [smem:$0x3FFB];
	_ =	sdelay $0x3  }
0x92: {  	_ =	strace s17  }
0x93: {  	s2 =	sld [smem:$0x3FFC];
	_ =	sdelay $0x3  }
0x94: {  	_ =	strace s2  }
0x95: {  	s2 =	sld [smem:$0x3FFD];
	_ =	sdelay $0x3  }
0x96: {  	_ =	strace s2  }
0x97: {  	_ =	strace $0x8FFFFFFF  }
0x98: {  	s18 =	sld [smem:$0x3FDB];
	_ =	sdelay $0x1  }
0x99: {  	s19 =	simm.s32 $_scs_section_size  }
0x9a: {  	s4 =	simm.s32 $_size__tile_overlayer_lowered;
	s5 =	simm.s32 $_tile_overlayer_lowered  }
0x9b: {  	s22 =	simm.s32 $0x1BFF;
	s21 =	sshll.u32 s5, $0x1;
	s2 =	sadd.s32 s19, s18  }
0x9c: {  	s6 =	simm.s32 $0x0;
	s20 =	sshll.u32 s4, $0x1;
	s4 =	sadd.s32 s21, s2  }
0x9d: {  	[timem:s6], [sflag:s22] =	dma.local [hbm:s4], s20  }
0x9e: {  	_ =	swait.ge [sflag:s22], s20  }
0x9f: {  	s3 =	ssub.s32 $0x0, s20;
	[sflag:s22] =	ssyncset.done $0x0  }
0xa0: {  	[sflag:s22] =	ssyncadd.s32 s3;
	_ =	sdelay $0x1  }
0xa1: {  	s23 =	simm.s32 $0x1B8B  }
0xa2: {  	_ =	swait.ge [sflag:s23], $0x1  }
0xa3: {  	[sflag:s23] =	ssyncset.done $0x0  }
0xa4: {  	s25 =	simm.s32 $0x1B8E;
	s24 =	sld [smem:$0x3FFE];
	[sflag:s23] =	ssyncadd.s32 $0xFFFFFFFF  }
0xa5: {  	s26 =	simm.s32 $execute0_lowered;
	[smem:$0x3FD2] =	sst s25  }
0xa6: {  	s4 =	sshll.u32 s26, $0x1;
	_ =	strace $0x80000049;
	[dreg:$0x1] =	wrdreg $0xFFFFFFFF  }
0xa7: {  	s28 =	simm.s32 $_size_execute0_lowered;
	s2 =	sadd.s32 s2, s4;
	[dreg:$0x0] =	wrdreg $0x0  }
0xa8: {  	s4 =	sshll.u32 s28, $0x1;
	[dreg:$0x2] =	wrdreg s2  }
0xa9: {  	[dreg:$0x3] =	wrdreg s4  }
0xaa: {  	[dreg:$0x4] =	wrdreg $0xC0  }
0xab: {  	_ =	task [dreg:s6], $0x5FFFF  }
0xac: {  	[dreg:$0x1] =	wrdreg $0xFFFFFFFF  }
0xad: {  	[dreg:$0x0] =	wrdreg $0x60  }
0xae: {  	[dreg:$0x2] =	wrdreg s24  }
0xaf: {  	[dreg:$0x3] =	wrdreg $0x0  }
0xb0: {  	[dreg:$0x4] =	wrdreg $0x9  }
0xb1: {  	_ =	task.clear_ibuf [dreg:s6], $0x5FFFF;
	_ =	strace $0x90000049  }
0xb2: {  	s29 =	simm.s32 $0x9;
	_ =	strace $0x8000004B  }
0xb3: {  	_ =	swait.ge [sflag:s29], $0x1  }
0xb4: {  	[sflag:s29] =	ssyncadd.s32 $0xFFFFFFFF  }
0xb5: {  	_ =	strace $0x9000004B  }
0xb6: {  	_ =	sfence  }
0xb7: {  	s30 =	sld [smem:$0x0];
	_ =	sdelay $0x2  }
0xb8: {  	s31 =	sshll.u32 s1, $0xD;
	s1 =	sshrl.u32 s1, $0x2  }
0xb9: {  	s3 =	sand.u32 $0x4000, s31;
	s1 =	sadd.s32 s1, s30  }
0xba: {  	s0 =	sor.u32 s3, s0;
	s1 =	sshll.u32 s1, $0x11  }
0xbb: {  	s0 =	sor.u32 s1, s0  }
0xbc: {  	s0 =	sadd.s32 $0x8F2B, s0  }
0xbd: {  	[sflag:s0] =	ssyncadd.remote.s32 $0x1  }
0xbe: {  	_ =	sfence.sel $0xFFFF  }
0xbf: {  	[dreg:$0x0] =	wrdreg $0xFFFFFFFF;
	(pc) =	sbr.abs _section_cstart, $3  }
0xc0: {  	[dreg:$0x1] =	wrdreg $0xFFFFFFFF  }
0xc1: {  	_ =	task.clear_ibuf [dreg:s6], $0x2FFFF;
	_ =	strace $0x9FFFFFFF  }
0xc2: {  	(tm) =	ssettm $0x7FFFFFFF  }
0xc3: {  	_ =	shalt  }
tec
execute0_lowered:
.L_overlay_start_1:
0x0: {  	(tag) =	ssettag $0x1  }
0x1: {  	s0 =	srdreg.scid  }
0x2: {  	s26 =	stileid.u32;
	s7 =	rddreg [dreg:$0x0]  }
0x3: {  	s2 =	rddreg [dreg:$0x1];
	s3 =	simm.s32 $0x0;
	s15 =	simm.s32 $0x14000  }
0x4: {  	s16 =	simm.s32 $0x4;
	s17 =	simm.s32 $0x15400;
	s18 =	simm.s32 $0x80  }
0x5: {  	s19 =	simm.s32 $0x16800;
	s20 =	simm.s32 $0x3;
	s21 =	simm.s32 $0x1A800  }
0x6: {  	s22 =	simm.s32 $0x1;
	s23 =	simm.s32 $0x2;
	s24 =	simm.s32 $0x15380  }
0x7: {  	s25 =	simm.s32 $0x16700;
	s28 =	simm.s32 $0x0;
	s8 =	smul.u32 $0x500, s26  }
0x8: {  	s6 =	sand.u32 $0x1, s0;
	[smem:$0x7FF] =	sst s3;
	s9 =	smul.u32 $0x2800, s26  }
0x9: {  	s4 =	sadd.s32 $0x3A00, s7;
	s29 =	smul.u32 $0x50000, s26;
	s1 =	sshll.u32 s6, $0x4  }
0xa: {  	_ =	strace $0x8000004A;
	s10 =	smul.u32 $0x28000, s6;
	s6 =	ssub.s32 $0x2, s6  }
0xb: {  	s1 =	sor.u32 s26, s1;
	s13 =	sadd.s32 s8, s7;
	s30 =	sshrl.u32 s6, $0x1  }
0xc: {  	s8 =	sshrl.u32 s29, $0x2;
	s5 =	smul.u32 $0x500, s1;
	s9 =	sadd.s32 s9, s10  }
0xd: {  	s31 =	ssub.s32 s6, s30;
	s14 =	sadd.s32 s8, s2;
	s6 =	sshll.u32 s26, $0x6  }
0xe: {  	s11 =	sadd.s32 $0x51C00, s13;
	s13 =	sadd.s32 $0x51E80, s13;
	s26 =	simm.s32 $0x16780  }
0xf: {  	s9 =	sadd.s32 s9, s7;
	s14 =	sshrl.u32 s14, $0x3;
	s12 =	sadd.s32 s5, s7  }
0x10: {  	s5 =	sadd.s32 $0x60C00, s7;
	s7 =	sor.u32 $0x1C03, s6;
	s8 =	sadd.s32 $0x63400, s9  }
0x11: {  	s9 =	smax.u32 s31, $0x1;
	s10 =	sadd.s32 $0x56C00, s12;
	s12 =	sadd.s32 $0x56E80, s12  }
.LBB2_1:
0x12: {  	[spmem:s14], [sflag:s7] =	dma.local [hbm:s5], $0x2800  }
0x13: {  	[tilespmem:s15], [sflag:$0x4] =	stream.linear.gather [hbm4b:s10+s3], $0x1400, $0x38;
	[tilespmem:$0x1E800] =	vst v63  }
0x14: {  	_ =	swait.ge [sflag:s16], $0x1400  }
0x15: {  	[sflag:s16] =	ssyncset.done $0x0  }
0x16: {  	[sflag:s16] =	ssyncadd.s32 $0xFFFFEC00  }
0x17: {  	[tilespmem:s17], [sflag:$0x4] =	stream.linear.gather [hbm4b:s11+s3], $0x1400, $0x38;
	[tilespmem:$0x1E800] =	vst v63  }
0x18: {  	_ =	swait.ge [sflag:s16], $0x1400  }
0x19: {  	[sflag:s16] =	ssyncset.done $0x0  }
0x1a: {  	[sflag:s16] =	ssyncadd.s32 $0xFFFFEC00  }
0x1b: {  	[tilespmem:s19], [sflag:$0x1] =	stream.indirect.gather [hbm4b:s4+s18], $0x80, s15, s18, $0xb8;
	[tilespmem:$0x1E800] =	vst v63  }
0x1c: {  	_ =	swait.ge [sflag:s20], $0x2800  }
0x1d: {  	[sflag:s20] =	ssyncset.done $0x0  }
0x1e: {  	[sflag:s20] =	ssyncadd.s32 $0xFFFFD800  }
0x1f: {  	s29 =	simm.s32 $0x14080;
	[bflag:$0x0] =	sbarrier.arrive $0xFFFF  }
0x20: {  	[tilespmem:s21], [sflag:$0x2] =	stream.indirect.gather [hbm4b:s4+s18], $0x80, s29, s18, $0xb8;
	[tilespmem:$0x1E800] =	vst v63  }
0x21: {  	_ =	swait.ge [sflag:s22], $0x4000  }
0x22: {  	[sflag:s22] =	ssyncset.done $0x0  }
0x23: {  	s29 =	simm.s32 $0x15400;
	[sflag:s22] =	ssyncadd.s32 $0xFFFFC000  }
0x24: {  	[spmem:s2] =	stream.indirect.scatter.add.f32 [tilespmem:s19], [sflag:$0x4], $0x80, s29, s18, $0xb8;
	[tilespmem:$0x1E800] =	vst v63  }
0x25: {  	_ =	swait.ge [sflag:s16], $0x4000  }
0x26: {  	[sflag:s16] =	ssyncset.done $0x0  }
0x27: {  	s29 =	simm.s32 $0x14100;
	[sflag:s16] =	ssyncadd.s32 $0xFFFFC000  }
0x28: {  	[tilespmem:s19], [sflag:$0x1] =	stream.indirect.gather [hbm4b:s4+s18], $0x80, s29, s18, $0xb8;
	[tilespmem:$0x1E800] =	vst v63  }
0x29: {  	_ =	swait.ge [sflag:s23], $0x4000  }
0x2a: {  	[sflag:s23] =	ssyncset.done $0x0  }
0x2b: {  	s29 =	simm.s32 $0x15480;
	[sflag:s23] =	ssyncadd.s32 $0xFFFFC000  }
0x2c: {  	[spmem:s2] =	stream.indirect.scatter.add.f32 [tilespmem:s21], [sflag:$0x4], $0x80, s29, s18, $0xb8;
	[tilespmem:$0x1E800] =	vst v63  }
0x2d: {  	_ =	swait.ge [sflag:s16], $0x4000  }
0x2e: {  	s30 =	simm.s32 $0x800;
	s29 =	simm.s32 $0x100;
	[sflag:s16] =	ssyncset.done $0x0  }
.LBB2_2:
0x2f: {  	s31 =	sadd.s32 $0x14080, s29  }
0x30: {  	[sflag:s16] =	ssyncadd.s32 $0xFFFFC000;
	s1 =	smov.u32 s30;
	s0 =	sadd.s32 $0x400, s30  }
0x31: {  	[tilespmem:s21], [sflag:$0x2] =	stream.indirect.gather [hbm4b:s4+s18], $0x80, s31, s18, $0xb8;
	[tilespmem:$0x1E800] =	vst v63  }
0x32: {  	p0 =	sne.s32 s30, $0x4800;
	_ =	swait.ge [sflag:s22], $0x4000  }
0x33: {  	[sflag:s22] =	ssyncset.done $0x0  }
0x34: {  	s30 =	sadd.s32 $0x15400, s29;
	[sflag:s22] =	ssyncadd.s32 $0xFFFFC000  }
0x35: {  	[spmem:s2] =	stream.indirect.scatter.add.f32 [tilespmem:s19], [sflag:$0x4], $0x80, s30, s18, $0xb8;
	[tilespmem:$0x1E800] =	vst v63  }
0x36: {  	_ =	swait.ge [sflag:s16], $0x4000  }
0x37: {  	[sflag:s16] =	ssyncset.done $0x0  }
0x38: {  	s30 =	sadd.s32 $0x14100, s29;
	[sflag:s16] =	ssyncadd.s32 $0xFFFFC000  }
0x39: {  	[tilespmem:s19], [sflag:$0x1] =	stream.indirect.gather [hbm4b:s4+s18], $0x80, s30, s18, $0xb8;
	[tilespmem:$0x1E800] =	vst v63  }
0x3a: {  	_ =	swait.ge [sflag:s23], $0x4000  }
.Ltmp0:
0x3b: {  	[sflag:s23] =	ssyncset.done $0x0;
	(pc) =	sbr.rel @p0 .LBB2_2-.Ltmp0, $4  }
0x3c: {  	s29 =	sadd.s32 $0x15480, s29;
	[sflag:s23] =	ssyncadd.s32 $0xFFFFC000  }
0x3d: {  	[spmem:s2] =	stream.indirect.scatter.add.f32 [tilespmem:s21], [sflag:$0x4], $0x80, s29, s18, $0xb8;
	[tilespmem:$0x1E800] =	vst v63  }
0x3e: {  	_ =	swait.ge [sflag:s16], $0x4000  }
0x3f: {  	s30 =	smov.u32 s0;
	s29 =	sshra.s32 s1, $0x2;
	[sflag:s16] =	ssyncset.done $0x0  }
0x40: {  	s0 =	sadd.s32 $0x14080, s29;
	[sflag:s16] =	ssyncadd.s32 $0xFFFFC000  }
0x41: {  	[tilespmem:s21], [sflag:$0x2] =	stream.indirect.gather [hbm4b:s4+s18], $0x80, s0, s18, $0xb8;
	[tilespmem:$0x1E800] =	vst v63  }
0x42: {  	_ =	swait.ge [sflag:s22], $0x4000  }
0x43: {  	[sflag:s22] =	ssyncset.done $0x0  }
0x44: {  	s1 =	sadd.s32 $0x15400, s29;
	[sflag:s22] =	ssyncadd.s32 $0xFFFFC000  }
0x45: {  	[spmem:s2] =	stream.indirect.scatter.add.f32 [tilespmem:s19], [sflag:$0x4], $0x80, s1, s18, $0xb8;
	[tilespmem:$0x1E800] =	vst v63  }
0x46: {  	_ =	swait.ge [sflag:s16], $0x4000  }
0x47: {  	[sflag:s16] =	ssyncset.done $0x0  }
0x48: {  	s31 =	sadd.s32 $0x14100, s29;
	[sflag:s16] =	ssyncadd.s32 $0xFFFFC000  }
0x49: {  	[tilespmem:s19], [sflag:$0x1] =	stream.indirect.gather [hbm4b:s4+s18], $0x80, s31, s18, $0xb8;
	[tilespmem:$0x1E800] =	vst v63  }
0x4a: {  	_ =	swait.ge [sflag:s23], $0x4000  }
0x4b: {  	[sflag:s23] =	ssyncset.done $0x0  }
0x4c: {  	s1 =	sadd.s32 $0x15480, s29;
	[sflag:s23] =	ssyncadd.s32 $0xFFFFC000  }
0x4d: {  	[spmem:s2] =	stream.indirect.scatter.add.f32 [tilespmem:s21], [sflag:$0x4], $0x80, s1, s18, $0xb8;
	[tilespmem:$0x1E800] =	vst v63  }
0x4e: {  	_ =	swait.ge [sflag:s16], $0x4000  }
0x4f: {  	[sflag:s16] =	ssyncset.done $0x0  }
0x50: {  	[sflag:s16] =	ssyncadd.s32 $0xFFFFC000  }
0x51: {  	[tilespmem:s21], [sflag:$0x2] =	stream.indirect.gather [hbm4b:s4+s18], $0x80, s24, s18, $0xb8;
	[tilespmem:$0x1E800] =	vst v63  }
0x52: {  	_ =	swait.ge [sflag:s22], $0x4000  }
0x53: {  	[sflag:s22] =	ssyncset.done $0x0  }
0x54: {  	[sflag:s22] =	ssyncadd.s32 $0xFFFFC000  }
0x55: {  	[spmem:s2] =	stream.indirect.scatter.add.f32 [tilespmem:s19], [sflag:$0x4], $0x80, s25, s18, $0xb8;
	[tilespmem:$0x1E800] =	vst v63  }
0x56: {  	_ =	swait.ge [sflag:s16], $0x4000  }
0x57: {  	[sflag:s16] =	ssyncset.done $0x0  }
0x58: {  	[sflag:s16] =	ssyncadd.s32 $0xFFFFC000  }
0x59: {  	_ =	swait.ge [sflag:s23], $0x4000  }
0x5a: {  	[sflag:s23] =	ssyncset.done $0x0  }
0x5b: {  	[sflag:s23] =	ssyncadd.s32 $0xFFFFC000  }
0x5c: {  	[spmem:s2] =	stream.indirect.scatter.add.f32 [tilespmem:s21], [sflag:$0x4], $0x80, s26, s18, $0xb8;
	[tilespmem:$0x1E800] =	vst v63  }
0x5d: {  	_ =	swait.ge [sflag:s16], $0x4000  }
0x5e: {  	[sflag:s16] =	ssyncset.done $0x0  }
0x5f: {  	s31 =	simm.s32 $0x0;
	[sflag:s16] =	ssyncadd.s32 $0xFFFFC000  }
0x60: {  	[tilespmem:s15], [sflag:$0x4] =	stream.linear.gather [hbm4b:s12+s31], $0x1400, $0x38;
	[tilespmem:$0x1E800] =	vst v63  }
0x61: {  	_ =	swait.ge [sflag:s16], $0x1400  }
0x62: {  	[sflag:s16] =	ssyncset.done $0x0  }
0x63: {  	[sflag:s16] =	ssyncadd.s32 $0xFFFFEC00  }
0x64: {  	[tilespmem:s17], [sflag:$0x4] =	stream.linear.gather [hbm4b:s13+s31], $0x1400, $0x38;
	[tilespmem:$0x1E800] =	vst v63  }
0x65: {  	_ =	swait.ge [sflag:s16], $0x1400  }
0x66: {  	[sflag:s16] =	ssyncset.done $0x0  }
0x67: {  	[sflag:s16] =	ssyncadd.s32 $0xFFFFEC00  }
0x68: {  	[tilespmem:s19], [sflag:$0x1] =	stream.indirect.gather [hbm4b:s4+s18], $0x80, s15, s18, $0xb8;
	[tilespmem:$0x1E800] =	vst v63  }
0x69: {  	s1 =	simm.s32 $0x14080  }
0x6a: {  	[tilespmem:s21], [sflag:$0x2] =	stream.indirect.gather [hbm4b:s4+s18], $0x80, s1, s18, $0xb8;
	[tilespmem:$0x1E800] =	vst v63  }
0x6b: {  	_ =	swait.ge [sflag:s22], $0x4000  }
0x6c: {  	[sflag:s22] =	ssyncset.done $0x0  }
0x6d: {  	s31 =	simm.s32 $0x15400;
	[sflag:s22] =	ssyncadd.s32 $0xFFFFC000  }
0x6e: {  	[spmem:s2] =	stream.indirect.scatter.add.f32 [tilespmem:s19], [sflag:$0x4], $0x80, s31, s18, $0xb8;
	[tilespmem:$0x1E800] =	vst v63  }
0x6f: {  	_ =	swait.ge [sflag:s16], $0x4000  }
0x70: {  	[sflag:s16] =	ssyncset.done $0x0  }
0x71: {  	s1 =	simm.s32 $0x14100;
	[sflag:s16] =	ssyncadd.s32 $0xFFFFC000  }
0x72: {  	[tilespmem:s19], [sflag:$0x1] =	stream.indirect.gather [hbm4b:s4+s18], $0x80, s1, s18, $0xb8;
	[tilespmem:$0x1E800] =	vst v63  }
0x73: {  	_ =	swait.ge [sflag:s23], $0x4000  }
0x74: {  	[sflag:s23] =	ssyncset.done $0x0  }
0x75: {  	s31 =	simm.s32 $0x15480;
	[sflag:s23] =	ssyncadd.s32 $0xFFFFC000  }
0x76: {  	[spmem:s2] =	stream.indirect.scatter.add.f32 [tilespmem:s21], [sflag:$0x4], $0x80, s31, s18, $0xb8;
	[tilespmem:$0x1E800] =	vst v63  }
0x77: {  	_ =	swait.ge [sflag:s16], $0x4000  }
0x78: {  	s30 =	simm.s32 $0x800;
	s29 =	simm.s32 $0x100;
	[sflag:s16] =	ssyncset.done $0x0  }
.LBB2_4:
0x79: {  	s0 =	sadd.s32 $0x14080, s29  }
0x7a: {  	[sflag:s16] =	ssyncadd.s32 $0xFFFFC000;
	s1 =	smov.u32 s30;
	s31 =	sadd.s32 $0x400, s30  }
0x7b: {  	[tilespmem:s21], [sflag:$0x2] =	stream.indirect.gather [hbm4b:s4+s18], $0x80, s0, s18, $0xb8;
	[tilespmem:$0x1E800] =	vst v63  }
0x7c: {  	p0 =	sne.s32 s30, $0x4800;
	_ =	swait.ge [sflag:s22], $0x4000  }
0x7d: {  	[sflag:s22] =	ssyncset.done $0x0  }
0x7e: {  	s0 =	sadd.s32 $0x15400, s29;
	[sflag:s22] =	ssyncadd.s32 $0xFFFFC000  }
0x7f: {  	[spmem:s2] =	stream.indirect.scatter.add.f32 [tilespmem:s19], [sflag:$0x4], $0x80, s0, s18, $0xb8;
	[tilespmem:$0x1E800] =	vst v63  }
0x80: {  	_ =	swait.ge [sflag:s16], $0x4000  }
0x81: {  	[sflag:s16] =	ssyncset.done $0x0  }
0x82: {  	s0 =	sadd.s32 $0x14100, s29;
	[sflag:s16] =	ssyncadd.s32 $0xFFFFC000  }
0x83: {  	[tilespmem:s19], [sflag:$0x1] =	stream.indirect.gather [hbm4b:s4+s18], $0x80, s0, s18, $0xb8;
	[tilespmem:$0x1E800] =	vst v63  }
0x84: {  	_ =	swait.ge [sflag:s23], $0x4000  }
.Ltmp1:
0x85: {  	[sflag:s23] =	ssyncset.done $0x0;
	(pc) =	sbr.rel @p0 .LBB2_4-.Ltmp1, $4  }
0x86: {  	s0 =	sadd.s32 $0x15480, s29;
	[sflag:s23] =	ssyncadd.s32 $0xFFFFC000  }
0x87: {  	[spmem:s2] =	stream.indirect.scatter.add.f32 [tilespmem:s21], [sflag:$0x4], $0x80, s0, s18, $0xb8;
	[tilespmem:$0x1E800] =	vst v63  }
0x88: {  	_ =	swait.ge [sflag:s16], $0x4000  }
0x89: {  	s30 =	smov.u32 s31;
	s29 =	sshra.s32 s1, $0x2;
	[sflag:s16] =	ssyncset.done $0x0  }
0x8a: {  	s0 =	sadd.s32 $0x14080, s29;
	[sflag:s16] =	ssyncadd.s32 $0xFFFFC000  }
0x8b: {  	[tilespmem:s21], [sflag:$0x2] =	stream.indirect.gather [hbm4b:s4+s18], $0x80, s0, s18, $0xb8;
	[tilespmem:$0x1E800] =	vst v63  }
0x8c: {  	_ =	swait.ge [sflag:s22], $0x4000  }
0x8d: {  	[sflag:s22] =	ssyncset.done $0x0  }
0x8e: {  	s31 =	sadd.s32 $0x15400, s29;
	[sflag:s22] =	ssyncadd.s32 $0xFFFFC000  }
0x8f: {  	[spmem:s2] =	stream.indirect.scatter.add.f32 [tilespmem:s19], [sflag:$0x4], $0x80, s31, s18, $0xb8;
	[tilespmem:$0x1E800] =	vst v63  }
0x90: {  	_ =	swait.ge [sflag:s16], $0x4000  }
0x91: {  	[sflag:s16] =	ssyncset.done $0x0  }
0x92: {  	s1 =	sadd.s32 $0x14100, s29;
	[sflag:s16] =	ssyncadd.s32 $0xFFFFC000  }
0x93: {  	[tilespmem:s19], [sflag:$0x1] =	stream.indirect.gather [hbm4b:s4+s18], $0x80, s1, s18, $0xb8;
	[tilespmem:$0x1E800] =	vst v63  }
0x94: {  	_ =	swait.ge [sflag:s23], $0x4000  }
0x95: {  	[sflag:s23] =	ssyncset.done $0x0  }
0x96: {  	s30 =	sadd.s32 $0x15480, s29;
	[sflag:s23] =	ssyncadd.s32 $0xFFFFC000  }
0x97: {  	[spmem:s2] =	stream.indirect.scatter.add.f32 [tilespmem:s21], [sflag:$0x4], $0x80, s30, s18, $0xb8;
	[tilespmem:$0x1E800] =	vst v63  }
0x98: {  	_ =	swait.ge [sflag:s16], $0x4000  }
0x99: {  	[sflag:s16] =	ssyncset.done $0x0  }
0x9a: {  	[sflag:s16] =	ssyncadd.s32 $0xFFFFC000  }
0x9b: {  	[tilespmem:s21], [sflag:$0x2] =	stream.indirect.gather [hbm4b:s4+s18], $0x80, s24, s18, $0xb8;
	[tilespmem:$0x1E800] =	vst v63  }
0x9c: {  	_ =	swait.ge [sflag:s22], $0x4000  }
0x9d: {  	[sflag:s22] =	ssyncset.done $0x0  }
0x9e: {  	[sflag:s22] =	ssyncadd.s32 $0xFFFFC000  }
0x9f: {  	[spmem:s2] =	stream.indirect.scatter.add.f32 [tilespmem:s19], [sflag:$0x4], $0x80, s25, s18, $0xb8;
	[tilespmem:$0x1E800] =	vst v63  }
0xa0: {  	_ =	swait.ge [sflag:s16], $0x4000  }
0xa1: {  	[sflag:s16] =	ssyncset.done $0x0  }
0xa2: {  	[sflag:s16] =	ssyncadd.s32 $0xFFFFC000  }
0xa3: {  	_ =	swait.ge [sflag:s23], $0x4000  }
0xa4: {  	[sflag:s23] =	ssyncset.done $0x0  }
0xa5: {  	[sflag:s23] =	ssyncadd.s32 $0xFFFFC000  }
0xa6: {  	[spmem:s2] =	stream.indirect.scatter.add.f32 [tilespmem:s21], [sflag:$0x4], $0x80, s26, s18, $0xb8;
	[tilespmem:$0x1E800] =	vst v63  }
0xa7: {  	_ =	swait.ge [sflag:s16], $0x4000  }
0xa8: {  	s28 =	sadd.s32 $0x1, s28;
	[sflag:s16] =	ssyncset.done $0x0  }
0xa9: {  	p0 =	sne.s32 s28, s9;
	[sflag:s16] =	ssyncadd.s32 $0xFFFFC000  }
.Ltmp2:
0xaa: {  	s31 =	sor.u32 $0x1C04, s6;
	[bflag:$0x0] =	sbarrier.arrive $0xFFFF;
	(pc) =	sbr.rel @p0 .LBB2_1-.Ltmp2, $4  }
0xab: {  	[hbm:s8], [sflag:s31] =	dma.local [spmem:s14], $0x2800  }
0xac: {  	_ =	swait.ge [sflag:s16], $0x2800  }
0xad: {  	[sflag:s16] =	ssyncset.done $0x0  }
0xae: {  	[sflag:s16] =	ssyncadd.s32 $0xFFFFD800  }
0xaf: {  	_ =	sfence.sel $0x180000  }
0xb0: {  	[bflag:$0x0] =	sbarrier.arrive $0xFFFF  }
0xb1: {  	_ =	strace $0x9000004A  }
0xb2: {  	s0 =	stileid.u32;
	[bflag:$0x2] =	sbarrier.arrive $0xFFFF  }
0xb3: {  	p0 =	sne.s32 s0, $0x0;
	s0 =	rddreg [dreg:$0x2]  }
0xb4: {  	s0 =	sadd.s32 @!p0 $0x100000, s0  }
0xb5: {  	[sflag:s0] =	ssyncadd.tile.s32 @!p0 $0x1;
	_ =	shalt  }
.Lfunc_end2:
_tile_overlayer_lowered:
.L_overlay_start_2:
0xb6: {  	(tag) =	ssettag $0x2  }
0xb7: {  	s0 =	rddreg [dreg:$0x0];
	s2 =	stileid.u32  }
0xb8: {  	s1 =	rddreg [dreg:$0x1];
	p0 =	sne.s32 s2, $0x0  }
0xb9: {  	s3 =	rddreg [dreg:$0x2];
	[bflag:$0x3] =	sbarrier.arrive $0xFFFF;
	s2 =	simm.s32 @!p0 $0x1C04  }
0xba: {  	[timem:s3], [sflag:s2] =	dma.local @!p0 [hbm:s0], s1  }
0xbb: {  	s0 =	simm.s32 @!p0 $0x4  }
0xbc: {  	_ =	swait.ge @!p0 [sflag:s0], s1  }
0xbd: {  	s1 =	ssub.s32 @!p0 $0x0, s1;
	[sflag:s0] =	ssyncset.done @!p0 $0x0  }
0xbe: {  	[sflag:s0] =	ssyncadd.s32 @!p0 s1  }
0xbf: {  	[bflag:$0x3] =	sbarrier.arrive $0xFFFF  }
0xc0: {  	_ =	shalt  }

// kernel: kernel.14.cloned.1.call-start
scs
__scs_entry_jumppad:
0x0: {  	(pc) =	sbr.rel $0x88, $3  }
0x1: {  	(tag) =	ssettag $0x0;
	lr =	simm.s32 $0x1  }
0x2: {  	[smem:$0x3F8F] =	sst lr;
	_ =	strace $0xD0000000  }
0x3: {  	_ = 	snop  }
0x4: {  	_ = 	snop  }
0x5: {  	_ = 	snop  }
0x6: {  	_ = 	snop  }
0x7: {  	_ = 	snop  }
__scs_overlays_trampoline_lowered:
0x8: {  	[smem:$0x3F9E] =	sst s0  }
0x9: {  	[smem:$0x3F9F] =	sst s1  }
0xa: {  	[smem:$0x3FA0] =	sst s2  }
0xb: {  	[smem:$0x3FA1] =	sst s3  }
0xc: {  	[smem:$0x3FA2] =	sst s4  }
0xd: {  	[smem:$0x3FA3] =	sst s5  }
0xe: {  	[smem:$0x3FA4] =	sst s6  }
0xf: {  	[smem:$0x3FA5] =	sst s7  }
0x10: {  	[smem:$0x3FA6] =	sst s8  }
0x11: {  	[smem:$0x3FA7] =	sst s9;
	s0 =	simm.s32 @!p0 $0x0  }
0x12: {  	s1 =	sld [smem:$0x3F8D];
	s0 =	simm.s32 @p0 $0x1  }
0x13: {  	[smem:$0x3FA8] =	sst s0;
	s0 =	simm.s32 @!p1 $0x0  }
0x14: {  	s2 =	sld [smem:$0x3F8C];
	s0 =	simm.s32 @p1 $0x1  }
0x15: {  	[smem:$0x3FA9] =	sst s0;
	s0 =	simm.s32 @!p2 $0x0  }
0x16: {  	s3 =	sld [smem:$0x3FDB];
	s0 =	simm.s32 @p2 $0x1  }
0x17: {  	s4 =	simm.s32 $0x1BF5;
	[smem:$0x3FAB] =	sst s0  }
0x18: {  	s0 =	sld [smem:$0x3F8E];
	_ =	swait.ge [sflag:s4], $0x0  }
0x19: {  	s7 =	sld [smem:$0x3F8F]  }
0x1a: {  	s8 =	sadd.s32 $0xFFFFE003, lr  }
0x1b: {  	s9 =	sadd.s32 $0xFFFFFEF7, lr;
	s5 =	simm.s32 $0xFFFFFFFF;
	p2 =	slt.u32 s8, $0xFFFFF086  }
0x1c: {  	p1 =	slt.u32 s9, $0xF7A;
	s5 =	simm.s32 @!p2 $0x0  }
0x1d: {  	s5 =	simm.s32 @p1 $0x1;
	p0 =	seq.s32 s7, s2  }
0x1e: {  	s7 =	smul.u32 @!p0 $0xF7A, s2;
	p2 =	seq.s32 @!p0 s5, $0x0  }
0x1f: {  	s9 =	smul.u32 $0xF7A, s1;
	s8 =	simm.s32 @!p0 $0x1BF5;
	p2 =	por !p2, p0  }
0x20: {  	[sflag:s8] =	ssyncset.s32 @!p0 $0xFFFFF086;
	s6 =	sadd.s32 @!p0 s3, s7;
	s7 =	simm.s32 @!p0 $0x108  }
0x21: {  	s3 =	sadd.s32 s3, s9;
	s6 =	sadd.s32 @!p0 $0x88, s6;
	s7 =	simm.s32 @p2 $0x1082  }
0x22: {  	[simem:s7], [sflag:s8] =	dma.local @!p0 [hbm:s6], $0xF7A  }
0x23: {  	s9 =	sor.u32 $0xD0000000, s2;
	s6 =	simm.s32 $0x108;
	_ =	swait.ge @!p0 [sflag:s8], $0x0  }
0x24: {  	s3 =	sadd.s32 $0x88, s3;
	s6 =	simm.s32 @!p1 $0x1082;
	[sflag:s4] =	ssyncset.s32 $0xFFFFF086  }
0x25: {  	[simem:s6], [sflag:s4] =	dma.local [hbm:s3], $0xF7A  }
0x26: {  	[smem:$0x3F8F] =	sst s1;
	(tag) =	ssettag s2;
	_ =	strace s9  }
0x27: {  	s1 =	sld [smem:$0x3F9F]  }
0x28: {  	s2 =	sld [smem:$0x3FA0]  }
0x29: {  	s4 =	sld [smem:$0x3FA2]  }
0x2a: {  	p0 =	seq.s32 s5, $0x0;
	s5 =	sld [smem:$0x3FA3]  }
0x2b: {  	s6 =	sld [smem:$0x3FA4]  }
0x2c: {  	s7 =	sld [smem:$0x3FA5]  }
0x2d: {  	s3 =	simm.s32 $0x108;
	s8 =	sld [smem:$0x3FA6]  }
0x2e: {  	s3 =	simm.s32 @!p0 $0x1082;
	s9 =	sld [smem:$0x3FA7]  }
0x2f: {  	lr =	sadd.s32 s0, s3;
	s0 =	sld [smem:$0x3F9E]  }
0x30: {  	s3 =	sld [smem:$0x3FA1]  }
0x31: {  	[smem:$0x3FAA] =	sst s10  }
0x32: {  	s10 =	sld [smem:$0x3FA8];
	_ =	sdelay $0x3  }
0x33: {  	p0 =	seq.s32 s10, $0x1;
	s10 =	sld [smem:$0x3FAA];
	_ =	sdelay $0x3  }
0x34: {  	[smem:$0x3FAA] =	sst s10  }
0x35: {  	s10 =	sld [smem:$0x3FA9];
	_ =	sdelay $0x3  }
0x36: {  	p1 =	seq.s32 s10, $0x1;
	s10 =	sld [smem:$0x3FAA];
	_ =	sdelay $0x3  }
0x37: {  	[smem:$0x3FAA] =	sst s10  }
0x38: {  	s10 =	sld [smem:$0x3FAB]  }
0x39: {  	_ = 	snop;
	(pc) =	sbr.ind lr, $3  }
0x3a: {  	_ = 	snop  }
0x3b: {  	_ = 	snop  }
0x3c: {  	p2 =	seq.s32 s10, $0x1;
	s10 =	sld [smem:$0x3FAA]  }
0x3d: {  	_ =	shalt  }
0x3e: {  	_ =	shalt  }
0x3f: {  	_ =	shalt  }
0x40: {  	_ =	shalt  }
0x41: {  	_ =	shalt  }
0x42: {  	_ =	shalt  }
0x43: {  	_ =	shalt  }
0x44: {  	_ =	shalt  }
0x45: {  	_ =	shalt  }
0x46: {  	_ =	shalt  }
0x47: {  	_ =	shalt  }
0x48: {  	_ =	shalt  }
0x49: {  	_ =	shalt  }
0x4a: {  	_ =	shalt  }
0x4b: {  	_ =	shalt  }
0x4c: {  	_ =	shalt  }
0x4d: {  	_ =	shalt  }
0x4e: {  	_ =	shalt  }
0x4f: {  	_ =	shalt  }
0x50: {  	_ =	shalt  }
0x51: {  	_ =	shalt  }
0x52: {  	_ =	shalt  }
0x53: {  	_ =	shalt  }
0x54: {  	_ =	shalt  }
0x55: {  	_ =	shalt  }
0x56: {  	_ =	shalt  }
0x57: {  	_ =	shalt  }
0x58: {  	_ =	shalt  }
0x59: {  	_ =	shalt  }
0x5a: {  	_ =	shalt  }
0x5b: {  	_ =	shalt  }
0x5c: {  	_ =	shalt  }
0x5d: {  	_ =	shalt  }
0x5e: {  	_ =	shalt  }
0x5f: {  	_ =	shalt  }
0x60: {  	_ =	shalt  }
0x61: {  	_ =	shalt  }
0x62: {  	_ =	shalt  }
0x63: {  	_ =	shalt  }
0x64: {  	_ =	shalt  }
0x65: {  	_ =	shalt  }
0x66: {  	_ =	shalt  }
0x67: {  	_ =	shalt  }
0x68: {  	_ =	shalt  }
0x69: {  	_ =	shalt  }
0x6a: {  	_ =	shalt  }
0x6b: {  	_ =	shalt  }
0x6c: {  	_ =	shalt  }
0x6d: {  	_ =	shalt  }
0x6e: {  	_ =	shalt  }
0x6f: {  	_ =	shalt  }
0x70: {  	_ =	shalt  }
0x71: {  	_ =	shalt  }
0x72: {  	_ =	shalt  }
0x73: {  	_ =	shalt  }
0x74: {  	_ =	shalt  }
0x75: {  	_ =	shalt  }
0x76: {  	_ =	shalt  }
0x77: {  	_ =	shalt  }
0x78: {  	_ =	shalt  }
0x79: {  	_ =	shalt  }
0x7a: {  	_ =	shalt  }
0x7b: {  	_ =	shalt  }
0x7c: {  	_ =	shalt  }
0x7d: {  	_ =	shalt  }
0x7e: {  	_ =	shalt  }
0x7f: {  	_ =	shalt  }
0x80: {  	_ =	shalt  }
0x81: {  	_ =	shalt  }
0x82: {  	_ =	shalt  }
0x83: {  	_ =	shalt  }
0x84: {  	_ =	shalt  }
0x85: {  	_ =	shalt  }
0x86: {  	_ =	shalt  }
0x87: {  	_ =	shalt  }
.Lfunc_end0:
.L_simem_size_0:
called_computation.2_lowered:
.L_overlay_start_0:
0x88: {  	s2 =	sld [smem:$0x3FD9]  }
0x89: {  	s3 =	sld [smem:$0x3FFE];
	_ =	sdelay $0x1  }
0x8a: {  	s1 =	srdreg.scid  }
0x8b: {  	s0 =	sand.u32 $0x1, s1  }
0x8c: {  	s16 =	sshll.u32 s0, $0xA;
	s2 =	sadd.s32 s3, s2  }
0x8d: {  	s2 =	sadd.s32 s2, s16  }
0x8e: {  	[smem:$0x3FB6] =	sst s2  }
0x8f: {  	_ = 	snop  }
0x90: {  	(tm) =	ssettm $0x1  }
0x91: {  	s17 =	sld [smem:$0x3FFB];
	_ =	sdelay $0x3  }
0x92: {  	_ =	strace s17  }
0x93: {  	s2 =	sld [smem:$0x3FFC];
	_ =	sdelay $0x3  }
0x94: {  	_ =	strace s2  }
0x95: {  	s2 =	sld [smem:$0x3FFD];
	_ =	sdelay $0x3  }
0x96: {  	_ =	strace s2  }
0x97: {  	_ =	strace $0x8FFFFFFF  }
0x98: {  	s18 =	sld [smem:$0x3FDB];
	_ =	sdelay $0x1  }
0x99: {  	s19 =	simm.s32 $_scs_section_size  }
0x9a: {  	s4 =	simm.s32 $_size__tile_overlayer_lowered;
	s5 =	simm.s32 $_tile_overlayer_lowered  }
0x9b: {  	s22 =	simm.s32 $0x1BFF;
	s21 =	sshll.u32 s5, $0x1;
	s2 =	sadd.s32 s19, s18  }
0x9c: {  	s6 =	simm.s32 $0x0;
	s20 =	sshll.u32 s4, $0x1;
	s4 =	sadd.s32 s21, s2  }
0x9d: {  	[timem:s6], [sflag:s22] =	dma.local [hbm:s4], s20  }
0x9e: {  	_ =	swait.ge [sflag:s22], s20  }
0x9f: {  	s3 =	ssub.s32 $0x0, s20;
	[sflag:s22] =	ssyncset.done $0x0  }
0xa0: {  	[sflag:s22] =	ssyncadd.s32 s3;
	_ =	sdelay $0x1  }
0xa1: {  	s23 =	simm.s32 $0x1B8B  }
0xa2: {  	_ =	swait.ge [sflag:s23], $0x1  }
0xa3: {  	[sflag:s23] =	ssyncset.done $0x0  }
0xa4: {  	s25 =	simm.s32 $0x1B8E;
	s24 =	sld [smem:$0x3FFE];
	[sflag:s23] =	ssyncadd.s32 $0xFFFFFFFF  }
0xa5: {  	s26 =	simm.s32 $execute0_lowered;
	[smem:$0x3FD2] =	sst s25  }
0xa6: {  	s4 =	sshll.u32 s26, $0x1;
	_ =	strace $0x8000004C;
	[dreg:$0x1] =	wrdreg $0xFFFFFFFF  }
0xa7: {  	s28 =	simm.s32 $_size_execute0_lowered;
	s2 =	sadd.s32 s2, s4;
	[dreg:$0x0] =	wrdreg $0x0  }
0xa8: {  	s4 =	sshll.u32 s28, $0x1;
	[dreg:$0x2] =	wrdreg s2  }
0xa9: {  	[dreg:$0x3] =	wrdreg s4  }
0xaa: {  	[dreg:$0x4] =	wrdreg $0xC0  }
0xab: {  	_ =	task [dreg:s6], $0x5FFFF  }
0xac: {  	[dreg:$0x1] =	wrdreg $0xFFFFFFFF  }
0xad: {  	[dreg:$0x0] =	wrdreg $0x60  }
0xae: {  	[dreg:$0x2] =	wrdreg s24  }
0xaf: {  	[dreg:$0x3] =	wrdreg $0x0  }
0xb0: {  	[dreg:$0x4] =	wrdreg $0x9  }
0xb1: {  	_ =	task.clear_ibuf [dreg:s6], $0x5FFFF;
	_ =	strace $0x9000004C  }
0xb2: {  	s29 =	simm.s32 $0x9;
	_ =	strace $0x8000004E  }
0xb3: {  	_ =	swait.ge [sflag:s29], $0x1  }
0xb4: {  	[sflag:s29] =	ssyncadd.s32 $0xFFFFFFFF  }
0xb5: {  	_ =	strace $0x9000004E  }
0xb6: {  	_ =	sfence  }
0xb7: {  	s30 =	sld [smem:$0x0];
	_ =	sdelay $0x2  }
0xb8: {  	s31 =	sshll.u32 s1, $0xD;
	s1 =	sshrl.u32 s1, $0x2  }
0xb9: {  	s3 =	sand.u32 $0x4000, s31;
	s1 =	sadd.s32 s1, s30  }
0xba: {  	s0 =	sor.u32 s3, s0;
	s1 =	sshll.u32 s1, $0x11  }
0xbb: {  	s0 =	sor.u32 s1, s0  }
0xbc: {  	s0 =	sadd.s32 $0x8F2B, s0  }
0xbd: {  	[sflag:s0] =	ssyncadd.remote.s32 $0x1  }
0xbe: {  	_ =	sfence.sel $0xFFFF  }
0xbf: {  	[dreg:$0x0] =	wrdreg $0xFFFFFFFF;
	(pc) =	sbr.abs _section_cstart, $3  }
0xc0: {  	[dreg:$0x1] =	wrdreg $0xFFFFFFFF  }
0xc1: {  	_ =	task.clear_ibuf [dreg:s6], $0x2FFFF;
	_ =	strace $0x9FFFFFFF  }
0xc2: {  	(tm) =	ssettm $0x7FFFFFFF  }
0xc3: {  	_ =	shalt  }
tec
execute0_lowered:
.L_overlay_start_1:
0x0: {  	(tag) =	ssettag $0x1  }
0x1: {  	s0 =	srdreg.scid  }
0x2: {  	s26 =	stileid.u32;
	s7 =	rddreg [dreg:$0x0]  }
0x3: {  	s2 =	rddreg [dreg:$0x1];
	s3 =	simm.s32 $0x0;
	s15 =	simm.s32 $0x14000  }
0x4: {  	s16 =	simm.s32 $0x4;
	s17 =	simm.s32 $0x15400;
	s18 =	simm.s32 $0x80  }
0x5: {  	s19 =	simm.s32 $0x16800;
	s20 =	simm.s32 $0x3;
	s21 =	simm.s32 $0x1A800  }
0x6: {  	s22 =	simm.s32 $0x1;
	s23 =	simm.s32 $0x2;
	s24 =	simm.s32 $0x15380  }
0x7: {  	s25 =	simm.s32 $0x16700;
	s28 =	simm.s32 $0x0;
	s8 =	smul.u32 $0x500, s26  }
0x8: {  	s6 =	sand.u32 $0x1, s0;
	[smem:$0x7FF] =	sst s3;
	s9 =	smul.u32 $0x2800, s26  }
0x9: {  	s4 =	sadd.s32 $0x3A00, s7;
	s29 =	smul.u32 $0x50000, s26;
	s1 =	sshll.u32 s6, $0x4  }
0xa: {  	_ =	strace $0x8000004D;
	s10 =	smul.u32 $0x28000, s6;
	s6 =	ssub.s32 $0x2, s6  }
0xb: {  	s1 =	sor.u32 s26, s1;
	s13 =	sadd.s32 s8, s7;
	s30 =	sshrl.u32 s6, $0x1  }
0xc: {  	s8 =	sshrl.u32 s29, $0x2;
	s5 =	smul.u32 $0x500, s1;
	s9 =	sadd.s32 s9, s10  }
0xd: {  	s31 =	ssub.s32 s6, s30;
	s14 =	sadd.s32 s8, s2;
	s6 =	sshll.u32 s26, $0x6  }
0xe: {  	s11 =	sadd.s32 $0x51C00, s13;
	s13 =	sadd.s32 $0x51E80, s13;
	s26 =	simm.s32 $0x16780  }
0xf: {  	s9 =	sadd.s32 s9, s7;
	s14 =	sshrl.u32 s14, $0x3;
	s12 =	sadd.s32 s5, s7  }
0x10: {  	s5 =	sadd.s32 $0x60C00, s7;
	s7 =	sor.u32 $0x1C03, s6;
	s8 =	sadd.s32 $0x63400, s9  }
0x11: {  	s9 =	smax.u32 s31, $0x1;
	s10 =	sadd.s32 $0x56C00, s12;
	s12 =	sadd.s32 $0x56E80, s12  }
.LBB2_1:
0x12: {  	[spmem:s14], [sflag:s7] =	dma.local [hbm:s5], $0x2800  }
0x13: {  	[tilespmem:s15], [sflag:$0x4] =	stream.linear.gather [hbm4b:s10+s3], $0x1400, $0x38;
	[tilespmem:$0x1E800] =	vst v63  }
0x14: {  	_ =	swait.ge [sflag:s16], $0x1400  }
0x15: {  	[sflag:s16] =	ssyncset.done $0x0  }
0x16: {  	[sflag:s16] =	ssyncadd.s32 $0xFFFFEC00  }
0x17: {  	[tilespmem:s17], [sflag:$0x4] =	stream.linear.gather [hbm4b:s11+s3], $0x1400, $0x38;
	[tilespmem:$0x1E800] =	vst v63  }
0x18: {  	_ =	swait.ge [sflag:s16], $0x1400  }
0x19: {  	[sflag:s16] =	ssyncset.done $0x0  }
0x1a: {  	[sflag:s16] =	ssyncadd.s32 $0xFFFFEC00  }
0x1b: {  	[tilespmem:s19], [sflag:$0x1] =	stream.indirect.gather [hbm4b:s4+s18], $0x80, s15, s18, $0xb8;
	[tilespmem:$0x1E800] =	vst v63  }
0x1c: {  	_ =	swait.ge [sflag:s20], $0x2800  }
0x1d: {  	[sflag:s20] =	ssyncset.done $0x0  }
0x1e: {  	[sflag:s20] =	ssyncadd.s32 $0xFFFFD800  }
0x1f: {  	s29 =	simm.s32 $0x14080;
	[bflag:$0x0] =	sbarrier.arrive $0xFFFF  }
0x20: {  	[tilespmem:s21], [sflag:$0x2] =	stream.indirect.gather [hbm4b:s4+s18], $0x80, s29, s18, $0xb8;
	[tilespmem:$0x1E800] =	vst v63  }
0x21: {  	_ =	swait.ge [sflag:s22], $0x4000  }
0x22: {  	[sflag:s22] =	ssyncset.done $0x0  }
0x23: {  	s29 =	simm.s32 $0x15400;
	[sflag:s22] =	ssyncadd.s32 $0xFFFFC000  }
0x24: {  	[spmem:s2] =	stream.indirect.scatter.add.f32 [tilespmem:s19], [sflag:$0x4], $0x80, s29, s18, $0xb8;
	[tilespmem:$0x1E800] =	vst v63  }
0x25: {  	_ =	swait.ge [sflag:s16], $0x4000  }
0x26: {  	[sflag:s16] =	ssyncset.done $0x0  }
0x27: {  	s29 =	simm.s32 $0x14100;
	[sflag:s16] =	ssyncadd.s32 $0xFFFFC000  }
0x28: {  	[tilespmem:s19], [sflag:$0x1] =	stream.indirect.gather [hbm4b:s4+s18], $0x80, s29, s18, $0xb8;
	[tilespmem:$0x1E800] =	vst v63  }
0x29: {  	_ =	swait.ge [sflag:s23], $0x4000  }
0x2a: {  	[sflag:s23] =	ssyncset.done $0x0  }
0x2b: {  	s29 =	simm.s32 $0x15480;
	[sflag:s23] =	ssyncadd.s32 $0xFFFFC000  }
0x2c: {  	[spmem:s2] =	stream.indirect.scatter.add.f32 [tilespmem:s21], [sflag:$0x4], $0x80, s29, s18, $0xb8;
	[tilespmem:$0x1E800] =	vst v63  }
0x2d: {  	_ =	swait.ge [sflag:s16], $0x4000  }
0x2e: {  	s30 =	simm.s32 $0x800;
	s29 =	simm.s32 $0x100;
	[sflag:s16] =	ssyncset.done $0x0  }
.LBB2_2:
0x2f: {  	s31 =	sadd.s32 $0x14080, s29  }
0x30: {  	[sflag:s16] =	ssyncadd.s32 $0xFFFFC000;
	s1 =	smov.u32 s30;
	s0 =	sadd.s32 $0x400, s30  }
0x31: {  	[tilespmem:s21], [sflag:$0x2] =	stream.indirect.gather [hbm4b:s4+s18], $0x80, s31, s18, $0xb8;
	[tilespmem:$0x1E800] =	vst v63  }
0x32: {  	p0 =	sne.s32 s30, $0x4800;
	_ =	swait.ge [sflag:s22], $0x4000  }
0x33: {  	[sflag:s22] =	ssyncset.done $0x0  }
0x34: {  	s30 =	sadd.s32 $0x15400, s29;
	[sflag:s22] =	ssyncadd.s32 $0xFFFFC000  }
0x35: {  	[spmem:s2] =	stream.indirect.scatter.add.f32 [tilespmem:s19], [sflag:$0x4], $0x80, s30, s18, $0xb8;
	[tilespmem:$0x1E800] =	vst v63  }
0x36: {  	_ =	swait.ge [sflag:s16], $0x4000  }
0x37: {  	[sflag:s16] =	ssyncset.done $0x0  }
0x38: {  	s30 =	sadd.s32 $0x14100, s29;
	[sflag:s16] =	ssyncadd.s32 $0xFFFFC000  }
0x39: {  	[tilespmem:s19], [sflag:$0x1] =	stream.indirect.gather [hbm4b:s4+s18], $0x80, s30, s18, $0xb8;
	[tilespmem:$0x1E800] =	vst v63  }
0x3a: {  	_ =	swait.ge [sflag:s23], $0x4000  }
.Ltmp0:
0x3b: {  	[sflag:s23] =	ssyncset.done $0x0;
	(pc) =	sbr.rel @p0 .LBB2_2-.Ltmp0, $4  }
0x3c: {  	s29 =	sadd.s32 $0x15480, s29;
	[sflag:s23] =	ssyncadd.s32 $0xFFFFC000  }
0x3d: {  	[spmem:s2] =	stream.indirect.scatter.add.f32 [tilespmem:s21], [sflag:$0x4], $0x80, s29, s18, $0xb8;
	[tilespmem:$0x1E800] =	vst v63  }
0x3e: {  	_ =	swait.ge [sflag:s16], $0x4000  }
0x3f: {  	s30 =	smov.u32 s0;
	s29 =	sshra.s32 s1, $0x2;
	[sflag:s16] =	ssyncset.done $0x0  }
0x40: {  	s0 =	sadd.s32 $0x14080, s29;
	[sflag:s16] =	ssyncadd.s32 $0xFFFFC000  }
0x41: {  	[tilespmem:s21], [sflag:$0x2] =	stream.indirect.gather [hbm4b:s4+s18], $0x80, s0, s18, $0xb8;
	[tilespmem:$0x1E800] =	vst v63  }
0x42: {  	_ =	swait.ge [sflag:s22], $0x4000  }
0x43: {  	[sflag:s22] =	ssyncset.done $0x0  }
0x44: {  	s1 =	sadd.s32 $0x15400, s29;
	[sflag:s22] =	ssyncadd.s32 $0xFFFFC000  }
0x45: {  	[spmem:s2] =	stream.indirect.scatter.add.f32 [tilespmem:s19], [sflag:$0x4], $0x80, s1, s18, $0xb8;
	[tilespmem:$0x1E800] =	vst v63  }
0x46: {  	_ =	swait.ge [sflag:s16], $0x4000  }
0x47: {  	[sflag:s16] =	ssyncset.done $0x0  }
0x48: {  	s31 =	sadd.s32 $0x14100, s29;
	[sflag:s16] =	ssyncadd.s32 $0xFFFFC000  }
0x49: {  	[tilespmem:s19], [sflag:$0x1] =	stream.indirect.gather [hbm4b:s4+s18], $0x80, s31, s18, $0xb8;
	[tilespmem:$0x1E800] =	vst v63  }
0x4a: {  	_ =	swait.ge [sflag:s23], $0x4000  }
0x4b: {  	[sflag:s23] =	ssyncset.done $0x0  }
0x4c: {  	s1 =	sadd.s32 $0x15480, s29;
	[sflag:s23] =	ssyncadd.s32 $0xFFFFC000  }
0x4d: {  	[spmem:s2] =	stream.indirect.scatter.add.f32 [tilespmem:s21], [sflag:$0x4], $0x80, s1, s18, $0xb8;
	[tilespmem:$0x1E800] =	vst v63  }
0x4e: {  	_ =	swait.ge [sflag:s16], $0x4000  }
0x4f: {  	[sflag:s16] =	ssyncset.done $0x0  }
0x50: {  	[sflag:s16] =	ssyncadd.s32 $0xFFFFC000  }
0x51: {  	[tilespmem:s21], [sflag:$0x2] =	stream.indirect.gather [hbm4b:s4+s18], $0x80, s24, s18, $0xb8;
	[tilespmem:$0x1E800] =	vst v63  }
0x52: {  	_ =	swait.ge [sflag:s22], $0x4000  }
0x53: {  	[sflag:s22] =	ssyncset.done $0x0  }
0x54: {  	[sflag:s22] =	ssyncadd.s32 $0xFFFFC000  }
0x55: {  	[spmem:s2] =	stream.indirect.scatter.add.f32 [tilespmem:s19], [sflag:$0x4], $0x80, s25, s18, $0xb8;
	[tilespmem:$0x1E800] =	vst v63  }
0x56: {  	_ =	swait.ge [sflag:s16], $0x4000  }
0x57: {  	[sflag:s16] =	ssyncset.done $0x0  }
0x58: {  	[sflag:s16] =	ssyncadd.s32 $0xFFFFC000  }
0x59: {  	_ =	swait.ge [sflag:s23], $0x4000  }
0x5a: {  	[sflag:s23] =	ssyncset.done $0x0  }
0x5b: {  	[sflag:s23] =	ssyncadd.s32 $0xFFFFC000  }
0x5c: {  	[spmem:s2] =	stream.indirect.scatter.add.f32 [tilespmem:s21], [sflag:$0x4], $0x80, s26, s18, $0xb8;
	[tilespmem:$0x1E800] =	vst v63  }
0x5d: {  	_ =	swait.ge [sflag:s16], $0x4000  }
0x5e: {  	[sflag:s16] =	ssyncset.done $0x0  }
0x5f: {  	s31 =	simm.s32 $0x0;
	[sflag:s16] =	ssyncadd.s32 $0xFFFFC000  }
0x60: {  	[tilespmem:s15], [sflag:$0x4] =	stream.linear.gather [hbm4b:s12+s31], $0x1400, $0x38;
	[tilespmem:$0x1E800] =	vst v63  }
0x61: {  	_ =	swait.ge [sflag:s16], $0x1400  }
0x62: {  	[sflag:s16] =	ssyncset.done $0x0  }
0x63: {  	[sflag:s16] =	ssyncadd.s32 $0xFFFFEC00  }
0x64: {  	[tilespmem:s17], [sflag:$0x4] =	stream.linear.gather [hbm4b:s13+s31], $0x1400, $0x38;
	[tilespmem:$0x1E800] =	vst v63  }
0x65: {  	_ =	swait.ge [sflag:s16], $0x1400  }
0x66: {  	[sflag:s16] =	ssyncset.done $0x0  }
0x67: {  	[sflag:s16] =	ssyncadd.s32 $0xFFFFEC00  }
0x68: {  	[tilespmem:s19], [sflag:$0x1] =	stream.indirect.gather [hbm4b:s4+s18], $0x80, s15, s18, $0xb8;
	[tilespmem:$0x1E800] =	vst v63  }
0x69: {  	s1 =	simm.s32 $0x14080  }
0x6a: {  	[tilespmem:s21], [sflag:$0x2] =	stream.indirect.gather [hbm4b:s4+s18], $0x80, s1, s18, $0xb8;
	[tilespmem:$0x1E800] =	vst v63  }
0x6b: {  	_ =	swait.ge [sflag:s22], $0x4000  }
0x6c: {  	[sflag:s22] =	ssyncset.done $0x0  }
0x6d: {  	s31 =	simm.s32 $0x15400;
	[sflag:s22] =	ssyncadd.s32 $0xFFFFC000  }
0x6e: {  	[spmem:s2] =	stream.indirect.scatter.add.f32 [tilespmem:s19], [sflag:$0x4], $0x80, s31, s18, $0xb8;
	[tilespmem:$0x1E800] =	vst v63  }
0x6f: {  	_ =	swait.ge [sflag:s16], $0x4000  }
0x70: {  	[sflag:s16] =	ssyncset.done $0x0  }
0x71: {  	s1 =	simm.s32 $0x14100;
	[sflag:s16] =	ssyncadd.s32 $0xFFFFC000  }
0x72: {  	[tilespmem:s19], [sflag:$0x1] =	stream.indirect.gather [hbm4b:s4+s18], $0x80, s1, s18, $0xb8;
	[tilespmem:$0x1E800] =	vst v63  }
0x73: {  	_ =	swait.ge [sflag:s23], $0x4000  }
0x74: {  	[sflag:s23] =	ssyncset.done $0x0  }
0x75: {  	s31 =	simm.s32 $0x15480;
	[sflag:s23] =	ssyncadd.s32 $0xFFFFC000  }
0x76: {  	[spmem:s2] =	stream.indirect.scatter.add.f32 [tilespmem:s21], [sflag:$0x4], $0x80, s31, s18, $0xb8;
	[tilespmem:$0x1E800] =	vst v63  }
0x77: {  	_ =	swait.ge [sflag:s16], $0x4000  }
0x78: {  	s30 =	simm.s32 $0x800;
	s29 =	simm.s32 $0x100;
	[sflag:s16] =	ssyncset.done $0x0  }
.LBB2_4:
0x79: {  	s0 =	sadd.s32 $0x14080, s29  }
0x7a: {  	[sflag:s16] =	ssyncadd.s32 $0xFFFFC000;
	s1 =	smov.u32 s30;
	s31 =	sadd.s32 $0x400, s30  }
0x7b: {  	[tilespmem:s21], [sflag:$0x2] =	stream.indirect.gather [hbm4b:s4+s18], $0x80, s0, s18, $0xb8;
	[tilespmem:$0x1E800] =	vst v63  }
0x7c: {  	p0 =	sne.s32 s30, $0x4800;
	_ =	swait.ge [sflag:s22], $0x4000  }
0x7d: {  	[sflag:s22] =	ssyncset.done $0x0  }
0x7e: {  	s0 =	sadd.s32 $0x15400, s29;
	[sflag:s22] =	ssyncadd.s32 $0xFFFFC000  }
0x7f: {  	[spmem:s2] =	stream.indirect.scatter.add.f32 [tilespmem:s19], [sflag:$0x4], $0x80, s0, s18, $0xb8;
	[tilespmem:$0x1E800] =	vst v63  }
0x80: {  	_ =	swait.ge [sflag:s16], $0x4000  }
0x81: {  	[sflag:s16] =	ssyncset.done $0x0  }
0x82: {  	s0 =	sadd.s32 $0x14100, s29;
	[sflag:s16] =	ssyncadd.s32 $0xFFFFC000  }
0x83: {  	[tilespmem:s19], [sflag:$0x1] =	stream.indirect.gather [hbm4b:s4+s18], $0x80, s0, s18, $0xb8;
	[tilespmem:$0x1E800] =	vst v63  }
0x84: {  	_ =	swait.ge [sflag:s23], $0x4000  }
.Ltmp1:
0x85: {  	[sflag:s23] =	ssyncset.done $0x0;
	(pc) =	sbr.rel @p0 .LBB2_4-.Ltmp1, $4  }
0x86: {  	s0 =	sadd.s32 $0x15480, s29;
	[sflag:s23] =	ssyncadd.s32 $0xFFFFC000  }
0x87: {  	[spmem:s2] =	stream.indirect.scatter.add.f32 [tilespmem:s21], [sflag:$0x4], $0x80, s0, s18, $0xb8;
	[tilespmem:$0x1E800] =	vst v63  }
0x88: {  	_ =	swait.ge [sflag:s16], $0x4000  }
0x89: {  	s30 =	smov.u32 s31;
	s29 =	sshra.s32 s1, $0x2;
	[sflag:s16] =	ssyncset.done $0x0  }
0x8a: {  	s0 =	sadd.s32 $0x14080, s29;
	[sflag:s16] =	ssyncadd.s32 $0xFFFFC000  }
0x8b: {  	[tilespmem:s21], [sflag:$0x2] =	stream.indirect.gather [hbm4b:s4+s18], $0x80, s0, s18, $0xb8;
	[tilespmem:$0x1E800] =	vst v63  }
0x8c: {  	_ =	swait.ge [sflag:s22], $0x4000  }
0x8d: {  	[sflag:s22] =	ssyncset.done $0x0  }
0x8e: {  	s31 =	sadd.s32 $0x15400, s29;
	[sflag:s22] =	ssyncadd.s32 $0xFFFFC000  }
0x8f: {  	[spmem:s2] =	stream.indirect.scatter.add.f32 [tilespmem:s19], [sflag:$0x4], $0x80, s31, s18, $0xb8;
	[tilespmem:$0x1E800] =	vst v63  }
0x90: {  	_ =	swait.ge [sflag:s16], $0x4000  }
0x91: {  	[sflag:s16] =	ssyncset.done $0x0  }
0x92: {  	s1 =	sadd.s32 $0x14100, s29;
	[sflag:s16] =	ssyncadd.s32 $0xFFFFC000  }
0x93: {  	[tilespmem:s19], [sflag:$0x1] =	stream.indirect.gather [hbm4b:s4+s18], $0x80, s1, s18, $0xb8;
	[tilespmem:$0x1E800] =	vst v63  }
0x94: {  	_ =	swait.ge [sflag:s23], $0x4000  }
0x95: {  	[sflag:s23] =	ssyncset.done $0x0  }
0x96: {  	s30 =	sadd.s32 $0x15480, s29;
	[sflag:s23] =	ssyncadd.s32 $0xFFFFC000  }
0x97: {  	[spmem:s2] =	stream.indirect.scatter.add.f32 [tilespmem:s21], [sflag:$0x4], $0x80, s30, s18, $0xb8;
	[tilespmem:$0x1E800] =	vst v63  }
0x98: {  	_ =	swait.ge [sflag:s16], $0x4000  }
0x99: {  	[sflag:s16] =	ssyncset.done $0x0  }
0x9a: {  	[sflag:s16] =	ssyncadd.s32 $0xFFFFC000  }
0x9b: {  	[tilespmem:s21], [sflag:$0x2] =	stream.indirect.gather [hbm4b:s4+s18], $0x80, s24, s18, $0xb8;
	[tilespmem:$0x1E800] =	vst v63  }
0x9c: {  	_ =	swait.ge [sflag:s22], $0x4000  }
0x9d: {  	[sflag:s22] =	ssyncset.done $0x0  }
0x9e: {  	[sflag:s22] =	ssyncadd.s32 $0xFFFFC000  }
0x9f: {  	[spmem:s2] =	stream.indirect.scatter.add.f32 [tilespmem:s19], [sflag:$0x4], $0x80, s25, s18, $0xb8;
	[tilespmem:$0x1E800] =	vst v63  }
0xa0: {  	_ =	swait.ge [sflag:s16], $0x4000  }
0xa1: {  	[sflag:s16] =	ssyncset.done $0x0  }
0xa2: {  	[sflag:s16] =	ssyncadd.s32 $0xFFFFC000  }
0xa3: {  	_ =	swait.ge [sflag:s23], $0x4000  }
0xa4: {  	[sflag:s23] =	ssyncset.done $0x0  }
0xa5: {  	[sflag:s23] =	ssyncadd.s32 $0xFFFFC000  }
0xa6: {  	[spmem:s2] =	stream.indirect.scatter.add.f32 [tilespmem:s21], [sflag:$0x4], $0x80, s26, s18, $0xb8;
	[tilespmem:$0x1E800] =	vst v63  }
0xa7: {  	_ =	swait.ge [sflag:s16], $0x4000  }
0xa8: {  	s28 =	sadd.s32 $0x1, s28;
	[sflag:s16] =	ssyncset.done $0x0  }
0xa9: {  	p0 =	sne.s32 s28, s9;
	[sflag:s16] =	ssyncadd.s32 $0xFFFFC000  }
.Ltmp2:
0xaa: {  	s31 =	sor.u32 $0x1C04, s6;
	[bflag:$0x0] =	sbarrier.arrive $0xFFFF;
	(pc) =	sbr.rel @p0 .LBB2_1-.Ltmp2, $4  }
0xab: {  	[hbm:s8], [sflag:s31] =	dma.local [spmem:s14], $0x2800  }
0xac: {  	_ =	swait.ge [sflag:s16], $0x2800  }
0xad: {  	[sflag:s16] =	ssyncset.done $0x0  }
0xae: {  	[sflag:s16] =	ssyncadd.s32 $0xFFFFD800  }
0xaf: {  	_ =	sfence.sel $0x180000  }
0xb0: {  	[bflag:$0x0] =	sbarrier.arrive $0xFFFF  }
0xb1: {  	_ =	strace $0x9000004D  }
0xb2: {  	s0 =	stileid.u32;
	[bflag:$0x2] =	sbarrier.arrive $0xFFFF  }
0xb3: {  	p0 =	sne.s32 s0, $0x0;
	s0 =	rddreg [dreg:$0x2]  }
0xb4: {  	s0 =	sadd.s32 @!p0 $0x100000, s0  }
0xb5: {  	[sflag:s0] =	ssyncadd.tile.s32 @!p0 $0x1;
	_ =	shalt  }
.Lfunc_end2:
_tile_overlayer_lowered:
.L_overlay_start_2:
0xb6: {  	(tag) =	ssettag $0x2  }
0xb7: {  	s0 =	rddreg [dreg:$0x0];
	s2 =	stileid.u32  }
0xb8: {  	s1 =	rddreg [dreg:$0x1];
	p0 =	sne.s32 s2, $0x0  }
0xb9: {  	s3 =	rddreg [dreg:$0x2];
	[bflag:$0x3] =	sbarrier.arrive $0xFFFF;
	s2 =	simm.s32 @!p0 $0x1C04  }
0xba: {  	[timem:s3], [sflag:s2] =	dma.local @!p0 [hbm:s0], s1  }
0xbb: {  	s0 =	simm.s32 @!p0 $0x4  }
0xbc: {  	_ =	swait.ge @!p0 [sflag:s0], s1  }
0xbd: {  	s1 =	ssub.s32 @!p0 $0x0, s1;
	[sflag:s0] =	ssyncset.done @!p0 $0x0  }
0xbe: {  	[sflag:s0] =	ssyncadd.s32 @!p0 s1  }
0xbf: {  	[bflag:$0x3] =	sbarrier.arrive $0xFFFF  }
0xc0: {  	_ =	shalt  }

// kernel: kernel.8.cloned.1.call-start
scs
__scs_entry_jumppad:
0x0: {  	(pc) =	sbr.rel $0x88, $3  }
0x1: {  	(tag) =	ssettag $0x0;
	lr =	simm.s32 $0x1  }
0x2: {  	[smem:$0x3F8F] =	sst lr;
	_ =	strace $0xD0000000  }
0x3: {  	_ = 	snop  }
0x4: {  	_ = 	snop  }
0x5: {  	_ = 	snop  }
0x6: {  	_ = 	snop  }
0x7: {  	_ = 	snop  }
__scs_overlays_trampoline_lowered:
0x8: {  	[smem:$0x3F9E] =	sst s0  }
0x9: {  	[smem:$0x3F9F] =	sst s1  }
0xa: {  	[smem:$0x3FA0] =	sst s2  }
0xb: {  	[smem:$0x3FA1] =	sst s3  }
0xc: {  	[smem:$0x3FA2] =	sst s4  }
0xd: {  	[smem:$0x3FA3] =	sst s5  }
0xe: {  	[smem:$0x3FA4] =	sst s6  }
0xf: {  	[smem:$0x3FA5] =	sst s7  }
0x10: {  	[smem:$0x3FA6] =	sst s8  }
0x11: {  	[smem:$0x3FA7] =	sst s9;
	s0 =	simm.s32 @!p0 $0x0  }
0x12: {  	s1 =	sld [smem:$0x3F8D];
	s0 =	simm.s32 @p0 $0x1  }
0x13: {  	[smem:$0x3FA8] =	sst s0;
	s0 =	simm.s32 @!p1 $0x0  }
0x14: {  	s2 =	sld [smem:$0x3F8C];
	s0 =	simm.s32 @p1 $0x1  }
0x15: {  	[smem:$0x3FA9] =	sst s0;
	s0 =	simm.s32 @!p2 $0x0  }
0x16: {  	s3 =	sld [smem:$0x3FDB];
	s0 =	simm.s32 @p2 $0x1  }
0x17: {  	s4 =	simm.s32 $0x1BF5;
	[smem:$0x3FAB] =	sst s0  }
0x18: {  	s0 =	sld [smem:$0x3F8E];
	_ =	swait.ge [sflag:s4], $0x0  }
0x19: {  	s7 =	sld [smem:$0x3F8F]  }
0x1a: {  	s8 =	sadd.s32 $0xFFFFE003, lr  }
0x1b: {  	s9 =	sadd.s32 $0xFFFFFEF7, lr;
	s5 =	simm.s32 $0xFFFFFFFF;
	p2 =	slt.u32 s8, $0xFFFFF086  }
0x1c: {  	p1 =	slt.u32 s9, $0xF7A;
	s5 =	simm.s32 @!p2 $0x0  }
0x1d: {  	s5 =	simm.s32 @p1 $0x1;
	p0 =	seq.s32 s7, s2  }
0x1e: {  	s7 =	smul.u32 @!p0 $0xF7A, s2;
	p2 =	seq.s32 @!p0 s5, $0x0  }
0x1f: {  	s9 =	smul.u32 $0xF7A, s1;
	s8 =	simm.s32 @!p0 $0x1BF5;
	p2 =	por !p2, p0  }
0x20: {  	[sflag:s8] =	ssyncset.s32 @!p0 $0xFFFFF086;
	s6 =	sadd.s32 @!p0 s3, s7;
	s7 =	simm.s32 @!p0 $0x108  }
0x21: {  	s3 =	sadd.s32 s3, s9;
	s6 =	sadd.s32 @!p0 $0x88, s6;
	s7 =	simm.s32 @p2 $0x1082  }
0x22: {  	[simem:s7], [sflag:s8] =	dma.local @!p0 [hbm:s6], $0xF7A  }
0x23: {  	s9 =	sor.u32 $0xD0000000, s2;
	s6 =	simm.s32 $0x108;
	_ =	swait.ge @!p0 [sflag:s8], $0x0  }
0x24: {  	s3 =	sadd.s32 $0x88, s3;
	s6 =	simm.s32 @!p1 $0x1082;
	[sflag:s4] =	ssyncset.s32 $0xFFFFF086  }
0x25: {  	[simem:s6], [sflag:s4] =	dma.local [hbm:s3], $0xF7A  }
0x26: {  	[smem:$0x3F8F] =	sst s1;
	(tag) =	ssettag s2;
	_ =	strace s9  }
0x27: {  	s1 =	sld [smem:$0x3F9F]  }
0x28: {  	s2 =	sld [smem:$0x3FA0]  }
0x29: {  	s4 =	sld [smem:$0x3FA2]  }
0x2a: {  	p0 =	seq.s32 s5, $0x0;
	s5 =	sld [smem:$0x3FA3]  }
0x2b: {  	s6 =	sld [smem:$0x3FA4]  }
0x2c: {  	s7 =	sld [smem:$0x3FA5]  }
0x2d: {  	s3 =	simm.s32 $0x108;
	s8 =	sld [smem:$0x3FA6]  }
0x2e: {  	s3 =	simm.s32 @!p0 $0x1082;
	s9 =	sld [smem:$0x3FA7]  }
0x2f: {  	lr =	sadd.s32 s0, s3;
	s0 =	sld [smem:$0x3F9E]  }
0x30: {  	s3 =	sld [smem:$0x3FA1]  }
0x31: {  	[smem:$0x3FAA] =	sst s10  }
0x32: {  	s10 =	sld [smem:$0x3FA8];
	_ =	sdelay $0x3  }
0x33: {  	p0 =	seq.s32 s10, $0x1;
	s10 =	sld [smem:$0x3FAA];
	_ =	sdelay $0x3  }
0x34: {  	[smem:$0x3FAA] =	sst s10  }
0x35: {  	s10 =	sld [smem:$0x3FA9];
	_ =	sdelay $0x3  }
0x36: {  	p1 =	seq.s32 s10, $0x1;
	s10 =	sld [smem:$0x3FAA];
	_ =	sdelay $0x3  }
0x37: {  	[smem:$0x3FAA] =	sst s10  }
0x38: {  	s10 =	sld [smem:$0x3FAB]  }
0x39: {  	_ = 	snop;
	(pc) =	sbr.ind lr, $3  }
0x3a: {  	_ = 	snop  }
0x3b: {  	_ = 	snop  }
0x3c: {  	p2 =	seq.s32 s10, $0x1;
	s10 =	sld [smem:$0x3FAA]  }
0x3d: {  	_ =	shalt  }
0x3e: {  	_ =	shalt  }
0x3f: {  	_ =	shalt  }
0x40: {  	_ =	shalt  }
0x41: {  	_ =	shalt  }
0x42: {  	_ =	shalt  }
0x43: {  	_ =	shalt  }
0x44: {  	_ =	shalt  }
0x45: {  	_ =	shalt  }
0x46: {  	_ =	shalt  }
0x47: {  	_ =	shalt  }
0x48: {  	_ =	shalt  }
0x49: {  	_ =	shalt  }
0x4a: {  	_ =	shalt  }
0x4b: {  	_ =	shalt  }
0x4c: {  	_ =	shalt  }
0x4d: {  	_ =	shalt  }
0x4e: {  	_ =	shalt  }
0x4f: {  	_ =	shalt  }
0x50: {  	_ =	shalt  }
0x51: {  	_ =	shalt  }
0x52: {  	_ =	shalt  }
0x53: {  	_ =	shalt  }
0x54: {  	_ =	shalt  }
0x55: {  	_ =	shalt  }
0x56: {  	_ =	shalt  }
0x57: {  	_ =	shalt  }
0x58: {  	_ =	shalt  }
0x59: {  	_ =	shalt  }
0x5a: {  	_ =	shalt  }
0x5b: {  	_ =	shalt  }
0x5c: {  	_ =	shalt  }
0x5d: {  	_ =	shalt  }
0x5e: {  	_ =	shalt  }
0x5f: {  	_ =	shalt  }
0x60: {  	_ =	shalt  }
0x61: {  	_ =	shalt  }
0x62: {  	_ =	shalt  }
0x63: {  	_ =	shalt  }
0x64: {  	_ =	shalt  }
0x65: {  	_ =	shalt  }
0x66: {  	_ =	shalt  }
0x67: {  	_ =	shalt  }
0x68: {  	_ =	shalt  }
0x69: {  	_ =	shalt  }
0x6a: {  	_ =	shalt  }
0x6b: {  	_ =	shalt  }
0x6c: {  	_ =	shalt  }
0x6d: {  	_ =	shalt  }
0x6e: {  	_ =	shalt  }
0x6f: {  	_ =	shalt  }
0x70: {  	_ =	shalt  }
0x71: {  	_ =	shalt  }
0x72: {  	_ =	shalt  }
0x73: {  	_ =	shalt  }
0x74: {  	_ =	shalt  }
0x75: {  	_ =	shalt  }
0x76: {  	_ =	shalt  }
0x77: {  	_ =	shalt  }
0x78: {  	_ =	shalt  }
0x79: {  	_ =	shalt  }
0x7a: {  	_ =	shalt  }
0x7b: {  	_ =	shalt  }
0x7c: {  	_ =	shalt  }
0x7d: {  	_ =	shalt  }
0x7e: {  	_ =	shalt  }
0x7f: {  	_ =	shalt  }
0x80: {  	_ =	shalt  }
0x81: {  	_ =	shalt  }
0x82: {  	_ =	shalt  }
0x83: {  	_ =	shalt  }
0x84: {  	_ =	shalt  }
0x85: {  	_ =	shalt  }
0x86: {  	_ =	shalt  }
0x87: {  	_ =	shalt  }
.Lfunc_end0:
.L_simem_size_0:
called_computation_lowered:
.L_overlay_start_0:
0x88: {  	s2 =	sld [smem:$0x3FD9]  }
0x89: {  	s3 =	sld [smem:$0x3FFE];
	_ =	sdelay $0x1  }
0x8a: {  	s1 =	srdreg.scid  }
0x8b: {  	s0 =	sand.u32 $0x1, s1  }
0x8c: {  	s16 =	sshll.u32 s0, $0xA;
	s2 =	sadd.s32 s3, s2  }
0x8d: {  	s2 =	sadd.s32 s2, s16  }
0x8e: {  	[smem:$0x3FB6] =	sst s2  }
0x8f: {  	_ = 	snop  }
0x90: {  	(tm) =	ssettm $0x1  }
0x91: {  	s17 =	sld [smem:$0x3FFB];
	_ =	sdelay $0x3  }
0x92: {  	_ =	strace s17  }
0x93: {  	s2 =	sld [smem:$0x3FFC];
	_ =	sdelay $0x3  }
0x94: {  	_ =	strace s2  }
0x95: {  	s2 =	sld [smem:$0x3FFD];
	_ =	sdelay $0x3  }
0x96: {  	_ =	strace s2  }
0x97: {  	_ =	strace $0x8FFFFFFF  }
0x98: {  	s18 =	sld [smem:$0x3FDB];
	_ =	sdelay $0x1  }
0x99: {  	s19 =	simm.s32 $_scs_section_size  }
0x9a: {  	s4 =	simm.s32 $_size__tile_overlayer_lowered;
	s5 =	simm.s32 $_tile_overlayer_lowered  }
0x9b: {  	s22 =	simm.s32 $0x1BFF;
	s21 =	sshll.u32 s5, $0x1;
	s2 =	sadd.s32 s19, s18  }
0x9c: {  	s6 =	simm.s32 $0x0;
	s20 =	sshll.u32 s4, $0x1;
	s4 =	sadd.s32 s21, s2  }
0x9d: {  	[timem:s6], [sflag:s22] =	dma.local [hbm:s4], s20  }
0x9e: {  	_ =	swait.ge [sflag:s22], s20  }
0x9f: {  	s3 =	ssub.s32 $0x0, s20;
	[sflag:s22] =	ssyncset.done $0x0  }
0xa0: {  	[sflag:s22] =	ssyncadd.s32 s3;
	_ =	sdelay $0x1  }
0xa1: {  	s23 =	simm.s32 $0x1B8B  }
0xa2: {  	_ =	swait.ge [sflag:s23], $0x1  }
0xa3: {  	[sflag:s23] =	ssyncset.done $0x0  }
0xa4: {  	s25 =	simm.s32 $0x1B8E;
	s24 =	sld [smem:$0x3FFE];
	[sflag:s23] =	ssyncadd.s32 $0xFFFFFFFF  }
0xa5: {  	s26 =	simm.s32 $execute0_lowered;
	[smem:$0x3FD2] =	sst s25  }
0xa6: {  	s4 =	sshll.u32 s26, $0x1;
	_ =	strace $0x80000046;
	[dreg:$0x1] =	wrdreg $0xFFFFFFFF  }
0xa7: {  	s28 =	simm.s32 $_size_execute0_lowered;
	s2 =	sadd.s32 s2, s4;
	[dreg:$0x0] =	wrdreg $0x0  }
0xa8: {  	s4 =	sshll.u32 s28, $0x1;
	[dreg:$0x2] =	wrdreg s2  }
0xa9: {  	[dreg:$0x3] =	wrdreg s4  }
0xaa: {  	[dreg:$0x4] =	wrdreg $0xC0  }
0xab: {  	_ =	task [dreg:s6], $0x5FFFF  }
0xac: {  	[dreg:$0x1] =	wrdreg $0xFFFFFFFF  }
0xad: {  	[dreg:$0x0] =	wrdreg $0x60  }
0xae: {  	[dreg:$0x2] =	wrdreg s24  }
0xaf: {  	[dreg:$0x3] =	wrdreg $0x0  }
0xb0: {  	[dreg:$0x4] =	wrdreg $0x9  }
0xb1: {  	_ =	task.clear_ibuf [dreg:s6], $0x5FFFF;
	_ =	strace $0x90000046  }
0xb2: {  	s29 =	simm.s32 $0x9;
	_ =	strace $0x80000048  }
0xb3: {  	_ =	swait.ge [sflag:s29], $0x1  }
0xb4: {  	[sflag:s29] =	ssyncadd.s32 $0xFFFFFFFF  }
0xb5: {  	_ =	strace $0x90000048  }
0xb6: {  	_ =	sfence  }
0xb7: {  	s30 =	sld [smem:$0x0];
	_ =	sdelay $0x2  }
0xb8: {  	s31 =	sshll.u32 s1, $0xD;
	s1 =	sshrl.u32 s1, $0x2  }
0xb9: {  	s3 =	sand.u32 $0x4000, s31;
	s1 =	sadd.s32 s1, s30  }
0xba: {  	s0 =	sor.u32 s3, s0;
	s1 =	sshll.u32 s1, $0x11  }
0xbb: {  	s0 =	sor.u32 s1, s0  }
0xbc: {  	s0 =	sadd.s32 $0x8F2B, s0  }
0xbd: {  	[sflag:s0] =	ssyncadd.remote.s32 $0x1  }
0xbe: {  	_ =	sfence.sel $0xFFFF  }
0xbf: {  	[dreg:$0x0] =	wrdreg $0xFFFFFFFF;
	(pc) =	sbr.abs _section_cstart, $3  }
0xc0: {  	[dreg:$0x1] =	wrdreg $0xFFFFFFFF  }
0xc1: {  	_ =	task.clear_ibuf [dreg:s6], $0x2FFFF;
	_ =	strace $0x9FFFFFFF  }
0xc2: {  	(tm) =	ssettm $0x7FFFFFFF  }
0xc3: {  	_ =	shalt  }
tec
execute0_lowered:
.L_overlay_start_1:
0x0: {  	(tag) =	ssettag $0x1  }
0x1: {  	s0 =	srdreg.scid  }
0x2: {  	s26 =	stileid.u32;
	s7 =	rddreg [dreg:$0x0]  }
0x3: {  	s2 =	rddreg [dreg:$0x1];
	s3 =	simm.s32 $0x0;
	s15 =	simm.s32 $0x14000  }
0x4: {  	s16 =	simm.s32 $0x4;
	s17 =	simm.s32 $0x15400;
	s18 =	simm.s32 $0x80  }
0x5: {  	s19 =	simm.s32 $0x16800;
	s20 =	simm.s32 $0x3;
	s21 =	simm.s32 $0x1A800  }
0x6: {  	s22 =	simm.s32 $0x1;
	s23 =	simm.s32 $0x2;
	s24 =	simm.s32 $0x15380  }
0x7: {  	s25 =	simm.s32 $0x16700;
	s28 =	simm.s32 $0x0;
	s8 =	smul.u32 $0x500, s26  }
0x8: {  	s6 =	sand.u32 $0x1, s0;
	[smem:$0x7FF] =	sst s3;
	s9 =	smul.u32 $0x2800, s26  }
0x9: {  	s4 =	sadd.s32 $0x3A00, s7;
	s29 =	smul.u32 $0x50000, s26;
	s1 =	sshll.u32 s6, $0x4  }
0xa: {  	_ =	strace $0x80000047;
	s10 =	smul.u32 $0x28000, s6;
	s6 =	ssub.s32 $0x2, s6  }
0xb: {  	s1 =	sor.u32 s26, s1;
	s13 =	sadd.s32 s8, s7;
	s30 =	sshrl.u32 s6, $0x1  }
0xc: {  	s8 =	sshrl.u32 s29, $0x2;
	s5 =	smul.u32 $0x500, s1;
	s9 =	sadd.s32 s9, s10  }
0xd: {  	s31 =	ssub.s32 s6, s30;
	s14 =	sadd.s32 s8, s2;
	s6 =	sshll.u32 s26, $0x6  }
0xe: {  	s11 =	sadd.s32 $0x51C00, s13;
	s13 =	sadd.s32 $0x51E80, s13;
	s26 =	simm.s32 $0x16780  }
0xf: {  	s9 =	sadd.s32 s9, s7;
	s14 =	sshrl.u32 s14, $0x3;
	s12 =	sadd.s32 s5, s7  }
0x10: {  	s5 =	sadd.s32 $0x60C00, s7;
	s7 =	sor.u32 $0x1C03, s6;
	s8 =	sadd.s32 $0x63400, s9  }
0x11: {  	s9 =	smax.u32 s31, $0x1;
	s10 =	sadd.s32 $0x56C00, s12;
	s12 =	sadd.s32 $0x56E80, s12  }
.LBB2_1:
0x12: {  	[spmem:s14], [sflag:s7] =	dma.local [hbm:s5], $0x2800  }
0x13: {  	[tilespmem:s15], [sflag:$0x4] =	stream.linear.gather [hbm4b:s10+s3], $0x1400, $0x38;
	[tilespmem:$0x1E800] =	vst v63  }
0x14: {  	_ =	swait.ge [sflag:s16], $0x1400  }
0x15: {  	[sflag:s16] =	ssyncset.done $0x0  }
0x16: {  	[sflag:s16] =	ssyncadd.s32 $0xFFFFEC00  }
0x17: {  	[tilespmem:s17], [sflag:$0x4] =	stream.linear.gather [hbm4b:s11+s3], $0x1400, $0x38;
	[tilespmem:$0x1E800] =	vst v63  }
0x18: {  	_ =	swait.ge [sflag:s16], $0x1400  }
0x19: {  	[sflag:s16] =	ssyncset.done $0x0  }
0x1a: {  	[sflag:s16] =	ssyncadd.s32 $0xFFFFEC00  }
0x1b: {  	[tilespmem:s19], [sflag:$0x1] =	stream.indirect.gather [hbm4b:s4+s18], $0x80, s15, s18, $0xb8;
	[tilespmem:$0x1E800] =	vst v63  }
0x1c: {  	_ =	swait.ge [sflag:s20], $0x2800  }
0x1d: {  	[sflag:s20] =	ssyncset.done $0x0  }
0x1e: {  	[sflag:s20] =	ssyncadd.s32 $0xFFFFD800  }
0x1f: {  	s29 =	simm.s32 $0x14080;
	[bflag:$0x0] =	sbarrier.arrive $0xFFFF  }
0x20: {  	[tilespmem:s21], [sflag:$0x2] =	stream.indirect.gather [hbm4b:s4+s18], $0x80, s29, s18, $0xb8;
	[tilespmem:$0x1E800] =	vst v63  }
0x21: {  	_ =	swait.ge [sflag:s22], $0x4000  }
0x22: {  	[sflag:s22] =	ssyncset.done $0x0  }
0x23: {  	s29 =	simm.s32 $0x15400;
	[sflag:s22] =	ssyncadd.s32 $0xFFFFC000  }
0x24: {  	[spmem:s2] =	stream.indirect.scatter.add.f32 [tilespmem:s19], [sflag:$0x4], $0x80, s29, s18, $0xb8;
	[tilespmem:$0x1E800] =	vst v63  }
0x25: {  	_ =	swait.ge [sflag:s16], $0x4000  }
0x26: {  	[sflag:s16] =	ssyncset.done $0x0  }
0x27: {  	s29 =	simm.s32 $0x14100;
	[sflag:s16] =	ssyncadd.s32 $0xFFFFC000  }
0x28: {  	[tilespmem:s19], [sflag:$0x1] =	stream.indirect.gather [hbm4b:s4+s18], $0x80, s29, s18, $0xb8;
	[tilespmem:$0x1E800] =	vst v63  }
0x29: {  	_ =	swait.ge [sflag:s23], $0x4000  }
0x2a: {  	[sflag:s23] =	ssyncset.done $0x0  }
0x2b: {  	s29 =	simm.s32 $0x15480;
	[sflag:s23] =	ssyncadd.s32 $0xFFFFC000  }
0x2c: {  	[spmem:s2] =	stream.indirect.scatter.add.f32 [tilespmem:s21], [sflag:$0x4], $0x80, s29, s18, $0xb8;
	[tilespmem:$0x1E800] =	vst v63  }
0x2d: {  	_ =	swait.ge [sflag:s16], $0x4000  }
0x2e: {  	s30 =	simm.s32 $0x800;
	s29 =	simm.s32 $0x100;
	[sflag:s16] =	ssyncset.done $0x0  }
.LBB2_2:
0x2f: {  	s31 =	sadd.s32 $0x14080, s29  }
0x30: {  	[sflag:s16] =	ssyncadd.s32 $0xFFFFC000;
	s1 =	smov.u32 s30;
	s0 =	sadd.s32 $0x400, s30  }
0x31: {  	[tilespmem:s21], [sflag:$0x2] =	stream.indirect.gather [hbm4b:s4+s18], $0x80, s31, s18, $0xb8;
	[tilespmem:$0x1E800] =	vst v63  }
0x32: {  	p0 =	sne.s32 s30, $0x4800;
	_ =	swait.ge [sflag:s22], $0x4000  }
0x33: {  	[sflag:s22] =	ssyncset.done $0x0  }
0x34: {  	s30 =	sadd.s32 $0x15400, s29;
	[sflag:s22] =	ssyncadd.s32 $0xFFFFC000  }
0x35: {  	[spmem:s2] =	stream.indirect.scatter.add.f32 [tilespmem:s19], [sflag:$0x4], $0x80, s30, s18, $0xb8;
	[tilespmem:$0x1E800] =	vst v63  }
0x36: {  	_ =	swait.ge [sflag:s16], $0x4000  }
0x37: {  	[sflag:s16] =	ssyncset.done $0x0  }
0x38: {  	s30 =	sadd.s32 $0x14100, s29;
	[sflag:s16] =	ssyncadd.s32 $0xFFFFC000  }
0x39: {  	[tilespmem:s19], [sflag:$0x1] =	stream.indirect.gather [hbm4b:s4+s18], $0x80, s30, s18, $0xb8;
	[tilespmem:$0x1E800] =	vst v63  }
0x3a: {  	_ =	swait.ge [sflag:s23], $0x4000  }
.Ltmp0:
0x3b: {  	[sflag:s23] =	ssyncset.done $0x0;
	(pc) =	sbr.rel @p0 .LBB2_2-.Ltmp0, $4  }
0x3c: {  	s29 =	sadd.s32 $0x15480, s29;
	[sflag:s23] =	ssyncadd.s32 $0xFFFFC000  }
0x3d: {  	[spmem:s2] =	stream.indirect.scatter.add.f32 [tilespmem:s21], [sflag:$0x4], $0x80, s29, s18, $0xb8;
	[tilespmem:$0x1E800] =	vst v63  }
0x3e: {  	_ =	swait.ge [sflag:s16], $0x4000  }
0x3f: {  	s30 =	smov.u32 s0;
	s29 =	sshra.s32 s1, $0x2;
	[sflag:s16] =	ssyncset.done $0x0  }
0x40: {  	s0 =	sadd.s32 $0x14080, s29;
	[sflag:s16] =	ssyncadd.s32 $0xFFFFC000  }
0x41: {  	[tilespmem:s21], [sflag:$0x2] =	stream.indirect.gather [hbm4b:s4+s18], $0x80, s0, s18, $0xb8;
	[tilespmem:$0x1E800] =	vst v63  }
0x42: {  	_ =	swait.ge [sflag:s22], $0x4000  }
0x43: {  	[sflag:s22] =	ssyncset.done $0x0  }
0x44: {  	s1 =	sadd.s32 $0x15400, s29;
	[sflag:s22] =	ssyncadd.s32 $0xFFFFC000  }
0x45: {  	[spmem:s2] =	stream.indirect.scatter.add.f32 [tilespmem:s19], [sflag:$0x4], $0x80, s1, s18, $0xb8;
	[tilespmem:$0x1E800] =	vst v63  }
0x46: {  	_ =	swait.ge [sflag:s16], $0x4000  }
0x47: {  	[sflag:s16] =	ssyncset.done $0x0  }
0x48: {  	s31 =	sadd.s32 $0x14100, s29;
	[sflag:s16] =	ssyncadd.s32 $0xFFFFC000  }
0x49: {  	[tilespmem:s19], [sflag:$0x1] =	stream.indirect.gather [hbm4b:s4+s18], $0x80, s31, s18, $0xb8;
	[tilespmem:$0x1E800] =	vst v63  }
0x4a: {  	_ =	swait.ge [sflag:s23], $0x4000  }
0x4b: {  	[sflag:s23] =	ssyncset.done $0x0  }
0x4c: {  	s1 =	sadd.s32 $0x15480, s29;
	[sflag:s23] =	ssyncadd.s32 $0xFFFFC000  }
0x4d: {  	[spmem:s2] =	stream.indirect.scatter.add.f32 [tilespmem:s21], [sflag:$0x4], $0x80, s1, s18, $0xb8;
	[tilespmem:$0x1E800] =	vst v63  }
0x4e: {  	_ =	swait.ge [sflag:s16], $0x4000  }
0x4f: {  	[sflag:s16] =	ssyncset.done $0x0  }
0x50: {  	[sflag:s16] =	ssyncadd.s32 $0xFFFFC000  }
0x51: {  	[tilespmem:s21], [sflag:$0x2] =	stream.indirect.gather [hbm4b:s4+s18], $0x80, s24, s18, $0xb8;
	[tilespmem:$0x1E800] =	vst v63  }
0x52: {  	_ =	swait.ge [sflag:s22], $0x4000  }
0x53: {  	[sflag:s22] =	ssyncset.done $0x0  }
0x54: {  	[sflag:s22] =	ssyncadd.s32 $0xFFFFC000  }
0x55: {  	[spmem:s2] =	stream.indirect.scatter.add.f32 [tilespmem:s19], [sflag:$0x4], $0x80, s25, s18, $0xb8;
	[tilespmem:$0x1E800] =	vst v63  }
0x56: {  	_ =	swait.ge [sflag:s16], $0x4000  }
0x57: {  	[sflag:s16] =	ssyncset.done $0x0  }
0x58: {  	[sflag:s16] =	ssyncadd.s32 $0xFFFFC000  }
0x59: {  	_ =	swait.ge [sflag:s23], $0x4000  }
0x5a: {  	[sflag:s23] =	ssyncset.done $0x0  }
0x5b: {  	[sflag:s23] =	ssyncadd.s32 $0xFFFFC000  }
0x5c: {  	[spmem:s2] =	stream.indirect.scatter.add.f32 [tilespmem:s21], [sflag:$0x4], $0x80, s26, s18, $0xb8;
	[tilespmem:$0x1E800] =	vst v63  }
0x5d: {  	_ =	swait.ge [sflag:s16], $0x4000  }
0x5e: {  	[sflag:s16] =	ssyncset.done $0x0  }
0x5f: {  	s31 =	simm.s32 $0x0;
	[sflag:s16] =	ssyncadd.s32 $0xFFFFC000  }
0x60: {  	[tilespmem:s15], [sflag:$0x4] =	stream.linear.gather [hbm4b:s12+s31], $0x1400, $0x38;
	[tilespmem:$0x1E800] =	vst v63  }
0x61: {  	_ =	swait.ge [sflag:s16], $0x1400  }
0x62: {  	[sflag:s16] =	ssyncset.done $0x0  }
0x63: {  	[sflag:s16] =	ssyncadd.s32 $0xFFFFEC00  }
0x64: {  	[tilespmem:s17], [sflag:$0x4] =	stream.linear.gather [hbm4b:s13+s31], $0x1400, $0x38;
	[tilespmem:$0x1E800] =	vst v63  }
0x65: {  	_ =	swait.ge [sflag:s16], $0x1400  }
0x66: {  	[sflag:s16] =	ssyncset.done $0x0  }
0x67: {  	[sflag:s16] =	ssyncadd.s32 $0xFFFFEC00  }
0x68: {  	[tilespmem:s19], [sflag:$0x1] =	stream.indirect.gather [hbm4b:s4+s18], $0x80, s15, s18, $0xb8;
	[tilespmem:$0x1E800] =	vst v63  }
0x69: {  	s1 =	simm.s32 $0x14080  }
0x6a: {  	[tilespmem:s21], [sflag:$0x2] =	stream.indirect.gather [hbm4b:s4+s18], $0x80, s1, s18, $0xb8;
	[tilespmem:$0x1E800] =	vst v63  }
0x6b: {  	_ =	swait.ge [sflag:s22], $0x4000  }
0x6c: {  	[sflag:s22] =	ssyncset.done $0x0  }
0x6d: {  	s31 =	simm.s32 $0x15400;
	[sflag:s22] =	ssyncadd.s32 $0xFFFFC000  }
0x6e: {  	[spmem:s2] =	stream.indirect.scatter.add.f32 [tilespmem:s19], [sflag:$0x4], $0x80, s31, s18, $0xb8;
	[tilespmem:$0x1E800] =	vst v63  }
0x6f: {  	_ =	swait.ge [sflag:s16], $0x4000  }
0x70: {  	[sflag:s16] =	ssyncset.done $0x0  }
0x71: {  	s1 =	simm.s32 $0x14100;
	[sflag:s16] =	ssyncadd.s32 $0xFFFFC000  }
0x72: {  	[tilespmem:s19], [sflag:$0x1] =	stream.indirect.gather [hbm4b:s4+s18], $0x80, s1, s18, $0xb8;
	[tilespmem:$0x1E800] =	vst v63  }
0x73: {  	_ =	swait.ge [sflag:s23], $0x4000  }
0x74: {  	[sflag:s23] =	ssyncset.done $0x0  }
0x75: {  	s31 =	simm.s32 $0x15480;
	[sflag:s23] =	ssyncadd.s32 $0xFFFFC000  }
0x76: {  	[spmem:s2] =	stream.indirect.scatter.add.f32 [tilespmem:s21], [sflag:$0x4], $0x80, s31, s18, $0xb8;
	[tilespmem:$0x1E800] =	vst v63  }
0x77: {  	_ =	swait.ge [sflag:s16], $0x4000  }
0x78: {  	s30 =	simm.s32 $0x800;
	s29 =	simm.s32 $0x100;
	[sflag:s16] =	ssyncset.done $0x0  }
.LBB2_4:
0x79: {  	s0 =	sadd.s32 $0x14080, s29  }
0x7a: {  	[sflag:s16] =	ssyncadd.s32 $0xFFFFC000;
	s1 =	smov.u32 s30;
	s31 =	sadd.s32 $0x400, s30  }
0x7b: {  	[tilespmem:s21], [sflag:$0x2] =	stream.indirect.gather [hbm4b:s4+s18], $0x80, s0, s18, $0xb8;
	[tilespmem:$0x1E800] =	vst v63  }
0x7c: {  	p0 =	sne.s32 s30, $0x4800;
	_ =	swait.ge [sflag:s22], $0x4000  }
0x7d: {  	[sflag:s22] =	ssyncset.done $0x0  }
0x7e: {  	s0 =	sadd.s32 $0x15400, s29;
	[sflag:s22] =	ssyncadd.s32 $0xFFFFC000  }
0x7f: {  	[spmem:s2] =	stream.indirect.scatter.add.f32 [tilespmem:s19], [sflag:$0x4], $0x80, s0, s18, $0xb8;
	[tilespmem:$0x1E800] =	vst v63  }
0x80: {  	_ =	swait.ge [sflag:s16], $0x4000  }
0x81: {  	[sflag:s16] =	ssyncset.done $0x0  }
0x82: {  	s0 =	sadd.s32 $0x14100, s29;
	[sflag:s16] =	ssyncadd.s32 $0xFFFFC000  }
0x83: {  	[tilespmem:s19], [sflag:$0x1] =	stream.indirect.gather [hbm4b:s4+s18], $0x80, s0, s18, $0xb8;
	[tilespmem:$0x1E800] =	vst v63  }
0x84: {  	_ =	swait.ge [sflag:s23], $0x4000  }
.Ltmp1:
0x85: {  	[sflag:s23] =	ssyncset.done $0x0;
	(pc) =	sbr.rel @p0 .LBB2_4-.Ltmp1, $4  }
0x86: {  	s0 =	sadd.s32 $0x15480, s29;
	[sflag:s23] =	ssyncadd.s32 $0xFFFFC000  }
0x87: {  	[spmem:s2] =	stream.indirect.scatter.add.f32 [tilespmem:s21], [sflag:$0x4], $0x80, s0, s18, $0xb8;
	[tilespmem:$0x1E800] =	vst v63  }
0x88: {  	_ =	swait.ge [sflag:s16], $0x4000  }
0x89: {  	s30 =	smov.u32 s31;
	s29 =	sshra.s32 s1, $0x2;
	[sflag:s16] =	ssyncset.done $0x0  }
0x8a: {  	s0 =	sadd.s32 $0x14080, s29;
	[sflag:s16] =	ssyncadd.s32 $0xFFFFC000  }
0x8b: {  	[tilespmem:s21], [sflag:$0x2] =	stream.indirect.gather [hbm4b:s4+s18], $0x80, s0, s18, $0xb8;
	[tilespmem:$0x1E800] =	vst v63  }
0x8c: {  	_ =	swait.ge [sflag:s22], $0x4000  }
0x8d: {  	[sflag:s22] =	ssyncset.done $0x0  }
0x8e: {  	s31 =	sadd.s32 $0x15400, s29;
	[sflag:s22] =	ssyncadd.s32 $0xFFFFC000  }
0x8f: {  	[spmem:s2] =	stream.indirect.scatter.add.f32 [tilespmem:s19], [sflag:$0x4], $0x80, s31, s18, $0xb8;
	[tilespmem:$0x1E800] =	vst v63  }
0x90: {  	_ =	swait.ge [sflag:s16], $0x4000  }
0x91: {  	[sflag:s16] =	ssyncset.done $0x0  }
0x92: {  	s1 =	sadd.s32 $0x14100, s29;
	[sflag:s16] =	ssyncadd.s32 $0xFFFFC000  }
0x93: {  	[tilespmem:s19], [sflag:$0x1] =	stream.indirect.gather [hbm4b:s4+s18], $0x80, s1, s18, $0xb8;
	[tilespmem:$0x1E800] =	vst v63  }
0x94: {  	_ =	swait.ge [sflag:s23], $0x4000  }
0x95: {  	[sflag:s23] =	ssyncset.done $0x0  }
0x96: {  	s30 =	sadd.s32 $0x15480, s29;
	[sflag:s23] =	ssyncadd.s32 $0xFFFFC000  }
0x97: {  	[spmem:s2] =	stream.indirect.scatter.add.f32 [tilespmem:s21], [sflag:$0x4], $0x80, s30, s18, $0xb8;
	[tilespmem:$0x1E800] =	vst v63  }
0x98: {  	_ =	swait.ge [sflag:s16], $0x4000  }
0x99: {  	[sflag:s16] =	ssyncset.done $0x0  }
0x9a: {  	[sflag:s16] =	ssyncadd.s32 $0xFFFFC000  }
0x9b: {  	[tilespmem:s21], [sflag:$0x2] =	stream.indirect.gather [hbm4b:s4+s18], $0x80, s24, s18, $0xb8;
	[tilespmem:$0x1E800] =	vst v63  }
0x9c: {  	_ =	swait.ge [sflag:s22], $0x4000  }
0x9d: {  	[sflag:s22] =	ssyncset.done $0x0  }
0x9e: {  	[sflag:s22] =	ssyncadd.s32 $0xFFFFC000  }
0x9f: {  	[spmem:s2] =	stream.indirect.scatter.add.f32 [tilespmem:s19], [sflag:$0x4], $0x80, s25, s18, $0xb8;
	[tilespmem:$0x1E800] =	vst v63  }
0xa0: {  	_ =	swait.ge [sflag:s16], $0x4000  }
0xa1: {  	[sflag:s16] =	ssyncset.done $0x0  }
0xa2: {  	[sflag:s16] =	ssyncadd.s32 $0xFFFFC000  }
0xa3: {  	_ =	swait.ge [sflag:s23], $0x4000  }
0xa4: {  	[sflag:s23] =	ssyncset.done $0x0  }
0xa5: {  	[sflag:s23] =	ssyncadd.s32 $0xFFFFC000  }
0xa6: {  	[spmem:s2] =	stream.indirect.scatter.add.f32 [tilespmem:s21], [sflag:$0x4], $0x80, s26, s18, $0xb8;
	[tilespmem:$0x1E800] =	vst v63  }
0xa7: {  	_ =	swait.ge [sflag:s16], $0x4000  }
0xa8: {  	s28 =	sadd.s32 $0x1, s28;
	[sflag:s16] =	ssyncset.done $0x0  }
0xa9: {  	p0 =	sne.s32 s28, s9;
	[sflag:s16] =	ssyncadd.s32 $0xFFFFC000  }
.Ltmp2:
0xaa: {  	s31 =	sor.u32 $0x1C04, s6;
	[bflag:$0x0] =	sbarrier.arrive $0xFFFF;
	(pc) =	sbr.rel @p0 .LBB2_1-.Ltmp2, $4  }
0xab: {  	[hbm:s8], [sflag:s31] =	dma.local [spmem:s14], $0x2800  }
0xac: {  	_ =	swait.ge [sflag:s16], $0x2800  }
0xad: {  	[sflag:s16] =	ssyncset.done $0x0  }
0xae: {  	[sflag:s16] =	ssyncadd.s32 $0xFFFFD800  }
0xaf: {  	_ =	sfence.sel $0x180000  }
0xb0: {  	[bflag:$0x0] =	sbarrier.arrive $0xFFFF  }
0xb1: {  	_ =	strace $0x90000047  }
0xb2: {  	s0 =	stileid.u32;
	[bflag:$0x2] =	sbarrier.arrive $0xFFFF  }
0xb3: {  	p0 =	sne.s32 s0, $0x0;
	s0 =	rddreg [dreg:$0x2]  }
0xb4: {  	s0 =	sadd.s32 @!p0 $0x100000, s0  }
0xb5: {  	[sflag:s0] =	ssyncadd.tile.s32 @!p0 $0x1;
	_ =	shalt  }
.Lfunc_end2:
_tile_overlayer_lowered:
.L_overlay_start_2:
0xb6: {  	(tag) =	ssettag $0x2  }
0xb7: {  	s0 =	rddreg [dreg:$0x0];
	s2 =	stileid.u32  }
0xb8: {  	s1 =	rddreg [dreg:$0x1];
	p0 =	sne.s32 s2, $0x0  }
0xb9: {  	s3 =	rddreg [dreg:$0x2];
	[bflag:$0x3] =	sbarrier.arrive $0xFFFF;
	s2 =	simm.s32 @!p0 $0x1C04  }
0xba: {  	[timem:s3], [sflag:s2] =	dma.local @!p0 [hbm:s0], s1  }
0xbb: {  	s0 =	simm.s32 @!p0 $0x4  }
0xbc: {  	_ =	swait.ge @!p0 [sflag:s0], s1  }
0xbd: {  	s1 =	ssub.s32 @!p0 $0x0, s1;
	[sflag:s0] =	ssyncset.done @!p0 $0x0  }
0xbe: {  	[sflag:s0] =	ssyncadd.s32 @!p0 s1  }
0xbf: {  	[bflag:$0x3] =	sbarrier.arrive $0xFFFF  }
0xc0: {  	_ =	shalt  }

</sc_bundles>
